<compile_context>
chip_gen: v7x
topology: tpu7x:2x2x1
jax: 0.10.2.dev20260603
libtpu: 0.0.44.dev20260713+nightly
codegen_flags: <defaults>
</compile_context>

<pallas_src>
import functools

import jax
import jax.numpy as jnp
from jax import lax
from jax.experimental import pallas as pl
from jax.experimental.pallas import tpu as pltpu
from jax.experimental.pallas import tpu_sc as plsc

N = 10000
E = 320000
D = 128

NC = 2
NS = 16
NW = NC * NS
CH = 96
NCHUNK = 105
EPW = NCHUNK * CH
EPAD = NW * EPW
NPAD = 10240
RPS = NPAD // NS

_sc_mesh = plsc.VectorSubcoreMesh(core_axis_name="c", subcore_axis_name="s")


@functools.partial(
    pl.kernel,
    out_type=jax.ShapeDtypeStruct((NC, NPAD, D), jnp.float32),
    mesh=_sc_mesh,
    scratch_types=[
        pltpu.VMEM((EPW,), jnp.int32),
        pltpu.VMEM((NCHUNK, CH), jnp.int32),
        pltpu.VMEM((CH, D), jnp.float32),
        pltpu.VMEM((CH, D), jnp.float32),
        pltpu.SemaphoreType.DMA,
        pltpu.SemaphoreType.DMA,
        pltpu.VMEM_SHARED((NPAD, D), jnp.float32),
    ],
)
def _sc_agg(x_hbm, src_hbm, dst_hbm, zeros_hbm, out_hbm,
            src_v, dst_v, rows0, rows1, sem0, sem1, agg_sh):
    cid = lax.axis_index("c")
    sid = lax.axis_index("s")
    wid = cid * NS + sid
    eb = wid * EPW

    r0 = sid * RPS
    pltpu.async_copy(
        zeros_hbm.at[pl.ds(r0, RPS)], agg_sh.at[pl.ds(r0, RPS)], sem0)
    pltpu.async_copy(src_hbm.at[pl.ds(eb, EPW)], src_v, sem1)
    pltpu.sync_copy(dst_hbm.at[wid], dst_v)
    pltpu.make_async_copy(
        zeros_hbm.at[pl.ds(r0, RPS)], agg_sh.at[pl.ds(r0, RPS)], sem0).wait()
    pltpu.make_async_copy(src_hbm.at[pl.ds(eb, EPW)], src_v, sem1).wait()
    plsc.subcore_barrier()

    pltpu.async_copy(x_hbm.at[src_v.at[pl.ds(0, CH)]], rows0, sem0)
    pltpu.async_copy(x_hbm.at[src_v.at[pl.ds(CH, CH)]], rows1, sem1)

    @pl.loop(0, NCHUNK)
    def _(i):
        base = i * CH

        @pl.when(lax.rem(i, 2) == 0)
        def _():
            pltpu.make_async_copy(
                x_hbm.at[src_v.at[pl.ds(base, CH)]], rows0, sem0).wait()
            pltpu.sync_copy(rows0, agg_sh.at[dst_v.at[i]], add=True)

            @pl.when(i + 2 < NCHUNK)
            def _():
                pltpu.async_copy(
                    x_hbm.at[src_v.at[pl.ds(base + 2 * CH, CH)]], rows0, sem0)

        @pl.when(lax.rem(i, 2) == 1)
        def _():
            pltpu.make_async_copy(
                x_hbm.at[src_v.at[pl.ds(base, CH)]], rows1, sem1).wait()
            pltpu.sync_copy(rows1, agg_sh.at[dst_v.at[i]], add=True)

            @pl.when(i + 2 < NCHUNK)
            def _():
                pltpu.async_copy(
                    x_hbm.at[src_v.at[pl.ds(base + 2 * CH, CH)]], rows1, sem1)

    plsc.subcore_barrier()
    pltpu.sync_copy(agg_sh.at[pl.ds(r0, RPS)], out_hbm.at[cid, pl.ds(r0, RPS)])


_BLK = 2000


def _mlp1_body(x_ref, agg_ref, w_ref, b_ref, o_ref):
    h = x_ref[...] + agg_ref[0] + agg_ref[1]
    z = lax.dot_general(h, w_ref[...], (((1,), (1,)), ((), ())),
                        precision=lax.Precision.HIGHEST,
                        preferred_element_type=jnp.float32)
    o_ref[...] = jnp.maximum(z + b_ref[...], 0.0)


def _mlp2_body(h_ref, agg_ref, w_ref, b_ref, o_ref):
    h = h_ref[...] + agg_ref[0] + agg_ref[1]
    z = lax.dot_general(h, w_ref[...], (((1,), (1,)), ((), ())),
                        precision=lax.Precision.HIGHEST,
                        preferred_element_type=jnp.float32)
    z = z + b_ref[...]
    m = jnp.max(z, axis=1, keepdims=True)
    lse = m + jnp.log(jnp.sum(jnp.exp(z - m), axis=1, keepdims=True))
    o_ref[...] = z - lse


def _make_mlp(body):
    return pl.pallas_call(
        body,
        grid=(N // _BLK,),
        in_specs=[
            pl.BlockSpec((_BLK, D), lambda i: (i, 0)),
            pl.BlockSpec((NC, _BLK, D), lambda i: (0, i, 0)),
            pl.BlockSpec((D, D), lambda i: (0, 0)),
            pl.BlockSpec((1, D), lambda i: (0, 0)),
        ],
        out_specs=pl.BlockSpec((_BLK, D), lambda i: (i, 0)),
        out_shape=jax.ShapeDtypeStruct((N, D), jnp.float32),
    )


_mlp1 = _make_mlp(_mlp1_body)
_mlp2 = _make_mlp(_mlp2_body)


def kernel(x, edge_index, W1, b1, W2, b2):
    npad_e = EPAD - E
    pad_ids = jnp.arange(npad_e, dtype=jnp.int32)
    src = jnp.concatenate([edge_index[0], pad_ids % N])
    dst = jnp.concatenate(
        [edge_index[1], N + pad_ids % (NPAD - N)]
    ).reshape(NW, NCHUNK, CH)
    zeros = jnp.zeros((NPAD, D), jnp.float32)
    b1r = b1.reshape(1, D)
    b2r = b2.reshape(1, D)

    agg1 = _sc_agg(x, src, dst, zeros)
    h1 = _mlp1(x, agg1, W1, b1r)
    agg2 = _sc_agg(h1, src, dst, zeros)
    return _mlp2(h1, agg2, W2, b2r)

# --- scband reference (transcript-rebuilt; emitter-appended) ---
"""Pipeline reference for scband-ginnet-41360535060554 (READ-ONLY COPY).

The authoritative reference and input builder live on the scoring server;
editing this copy changes nothing except your own understanding.
"""

import jax, jax.numpy as jnp
import numpy as np

N = 10000
E = 320000
D_IN = 128
D_H = 128
D_OUT = 128

def setup_inputs(seed: int = 0) -> dict:
    key = jax.random.key(seed)
    k1, k2, k3, k4, k5, k6 = jax.random.split(key, 6)
    x = jax.random.normal(k1, (N, D_IN), dtype=jnp.float32)
    edge_index = jax.random.randint(k2, (2, E), 0, N, dtype=jnp.int32)
    W1 = jax.random.normal(k3, (D_H, D_IN), dtype=jnp.float32) * (1.0 / np.sqrt(D_IN))
    b1 = jax.random.normal(k4, (D_H,), dtype=jnp.float32) * 0.01
    W2 = jax.random.normal(k5, (D_OUT, D_H), dtype=jnp.float32) * (1.0 / np.sqrt(D_H))
    b2 = jax.random.normal(k6, (D_OUT,), dtype=jnp.float32) * 0.01
    return {"x": x, "edge_index": edge_index, "W1": W1, "b1": b1, "W2": W2, "b2": b2}

def _gin_conv(x, edge_index, W, b, eps=0.0):
    # GINConv: nn((1+eps)*x + sum_{j in N(i)} x_j)
    src = edge_index[0]
    dst = edge_index[1]
    msgs = jnp.take(x, src, axis=0)                      # gather [E, d]
    agg = jnp.zeros_like(x).at[dst].add(msgs)            # scatter-add sum aggregation
    h = (1.0 + eps) * x + agg
    return h @ W.T + b

def reference(x, edge_index, W1, b1, W2, b2):
    h = jax.nn.relu(_gin_conv(x, edge_index, W1, b1))
    # dropout is identity in eval mode
    h = _gin_conv(h, edge_index, W2, b2)
    return jax.nn.log_softmax(h, axis=1)

if __name__ == "__main__":
    import jax
    _d = setup_inputs()
    print(jax.jit(kernel)(*tuple(_d.values())))

</pallas_src>

<mosaic_0001>
#map = affine_map<(d0, d1) -> (0, 0)>
#map1 = affine_map<(d0, d1) -> (0)>
#map2 = affine_map<(d0, d1) -> (0, 0, 0)>
module attributes {stable_mosaic.version = 14 : i64} {
  func.func @_sc_agg(%arg0: i32, %arg1: i32, %arg2: memref<10000x128xf32, #tpu.memory_space<hbm>>, %arg3: memref<322560xi32, #tpu.memory_space<hbm>>, %arg4: memref<32x105x96xi32, #tpu.memory_space<hbm>>, %arg5: memref<10240x128xf32, #tpu.memory_space<hbm>>, %arg6: memref<2x10240x128xf32, #tpu.memory_space<hbm>>, %arg7: memref<10080xi32, #tpu.memory_space<vmem>>, %arg8: memref<105x96xi32, #tpu.memory_space<vmem>>, %arg9: memref<96x128xf32, #tpu.memory_space<vmem>>, %arg10: memref<96x128xf32, #tpu.memory_space<vmem>>, %arg11: memref<!tpu.dma_semaphore, #tpu.memory_space<semaphore_mem>>, %arg12: memref<!tpu.dma_semaphore, #tpu.memory_space<semaphore_mem>>, %arg13: memref<10240x128xf32, #tpu.memory_space<vmem_shared>>) attributes {dimension_semantics = [#tpu.dimension_semantics<core_parallel>, #tpu.dimension_semantics<subcore_parallel>], iteration_bounds = array<i64: 2, 16>, scalar_prefetch = 0 : i64, scratch_operands = 7 : i64, tpu.core_type = #tpu.core_type<sc_vector_subcore>, window_params = [{transform_indices = #map}, {transform_indices = #map1}, {transform_indices = #map2}, {transform_indices = #map}, {transform_indices = #map2}]} {
    %mul3A = arith.constant 16 : i32
    %mul3A_0 = arith.muli %arg0, %mul3A : i32
    %add3A = arith.addi %mul3A_0, %arg1 : i32
    %mul3A_1 = arith.constant 10080 : i32
    %mul3A_2 = arith.muli %add3A, %mul3A_1 : i32
    %mul3A_3 = arith.constant 640 : i32
    %mul3A_4 = arith.muli %arg1, %mul3A_3 : i32
    %dma_start3A = arith.constant 0 : i32
    %dma_start3A_5 = tpu.memref_slice %arg13[%mul3A_4, %dma_start3A] : memref<10240x128xf32, #tpu.memory_space<vmem_shared>> -> memref<640x128xf32, #tpu.memory_space<vmem_shared>>
    %dma_start3A_6 = arith.constant 0 : i32
    %dma_start3A_7 = tpu.memref_slice %arg5[%mul3A_4, %dma_start3A_6] : memref<10240x128xf32, #tpu.memory_space<hbm>> -> memref<640x128xf32, #tpu.memory_space<hbm>>
    tpu.enqueue_dma source(%dma_start3A_7 : memref<640x128xf32, #tpu.memory_space<hbm>>) target(%dma_start3A_5 : memref<640x128xf32, #tpu.memory_space<vmem_shared>>) target_semaphore(%arg11 : memref<!tpu.dma_semaphore, #tpu.memory_space<semaphore_mem>>)
    %dma_start3A_8 = tpu.memref_slice %arg3[%mul3A_2] : memref<322560xi32, #tpu.memory_space<hbm>> -> memref<10080xi32, #tpu.memory_space<hbm>>
    %dma_start3A_9 = tpu.memref_slice %arg3[%mul3A_2] : memref<322560xi32, #tpu.memory_space<hbm>> -> memref<10080xi32, #tpu.memory_space<hbm>>
    tpu.enqueue_dma source(%dma_start3A_9 : memref<10080xi32, #tpu.memory_space<hbm>>) target(%arg7 : memref<10080xi32, #tpu.memory_space<vmem>>) target_semaphore(%arg12 : memref<!tpu.dma_semaphore, #tpu.memory_space<semaphore_mem>>)
    "tpu.region"() ({
      %run_scoped3A = tpu.sem_alloc : memref<!tpu.dma_semaphore, #tpu.memory_space<semaphore_mem>>
      %dma_start3A_30 = arith.constant 0 : i32
      %dma_start3A_31 = arith.constant 0 : i32
      %dma_start3A_32 = tpu.memref_slice %arg4[%add3A, %dma_start3A_30, %dma_start3A_31] : memref<32x105x96xi32, #tpu.memory_space<hbm>> -> memref<1x105x96xi32, #tpu.memory_space<hbm>>
      %dma_start3A_33 = tpu.memref_squeeze %dma_start3A_32 : memref<1x105x96xi32, #tpu.memory_space<hbm>> -> memref<105x96xi32, #tpu.memory_space<hbm>>
      %dma_start3A_34 = arith.constant 0 : i32
      %dma_start3A_35 = arith.constant 0 : i32
      %dma_start3A_36 = tpu.memref_slice %arg4[%add3A, %dma_start3A_34, %dma_start3A_35] : memref<32x105x96xi32, #tpu.memory_space<hbm>> -> memref<1x105x96xi32, #tpu.memory_space<hbm>>
      %dma_start3A_37 = tpu.memref_squeeze %dma_start3A_36 : memref<1x105x96xi32, #tpu.memory_space<hbm>> -> memref<105x96xi32, #tpu.memory_space<hbm>>
      tpu.enqueue_dma source(%dma_start3A_37 : memref<105x96xi32, #tpu.memory_space<hbm>>) target(%arg8 : memref<105x96xi32, #tpu.memory_space<vmem>>) target_semaphore(%run_scoped3A : memref<!tpu.dma_semaphore, #tpu.memory_space<semaphore_mem>>)
      %dma_wait3A_38 = arith.constant 0 : i32
      %dma_wait3A_39 = arith.constant 0 : i32
      %dma_wait3A_40 = tpu.memref_slice %arg4[%add3A, %dma_wait3A_38, %dma_wait3A_39] : memref<32x105x96xi32, #tpu.memory_space<hbm>> -> memref<1x105x96xi32, #tpu.memory_space<hbm>>
      %dma_wait3A_41 = tpu.memref_squeeze %dma_wait3A_40 : memref<1x105x96xi32, #tpu.memory_space<hbm>> -> memref<105x96xi32, #tpu.memory_space<hbm>>
      %dma_wait3A_42 = arith.constant 0 : i32
      %dma_wait3A_43 = arith.constant 0 : i32
      %dma_wait3A_44 = tpu.memref_slice %arg4[%add3A, %dma_wait3A_42, %dma_wait3A_43] : memref<32x105x96xi32, #tpu.memory_space<hbm>> -> memref<1x105x96xi32, #tpu.memory_space<hbm>>
      %dma_wait3A_45 = tpu.memref_squeeze %dma_wait3A_44 : memref<1x105x96xi32, #tpu.memory_space<hbm>> -> memref<105x96xi32, #tpu.memory_space<hbm>>
      tpu.wait_dma2 semaphore(%run_scoped3A : memref<!tpu.dma_semaphore, #tpu.memory_space<semaphore_mem>>) src(%dma_wait3A_45 : memref<105x96xi32, #tpu.memory_space<hbm>>) dst(%arg8 : memref<105x96xi32, #tpu.memory_space<vmem>>)
      tpu.yield
    }) : () -> ()
    %dma_wait3A = arith.constant 0 : i32
    %dma_wait3A_10 = tpu.memref_slice %arg13[%mul3A_4, %dma_wait3A] : memref<10240x128xf32, #tpu.memory_space<vmem_shared>> -> memref<640x128xf32, #tpu.memory_space<vmem_shared>>
    %dma_wait3A_11 = arith.constant 0 : i32
    %dma_wait3A_12 = tpu.memref_slice %arg5[%mul3A_4, %dma_wait3A_11] : memref<10240x128xf32, #tpu.memory_space<hbm>> -> memref<640x128xf32, #tpu.memory_space<hbm>>
    tpu.wait_dma2 semaphore(%arg11 : memref<!tpu.dma_semaphore, #tpu.memory_space<semaphore_mem>>) src(%dma_wait3A_12 : memref<640x128xf32, #tpu.memory_space<hbm>>) dst(%dma_wait3A_10 : memref<640x128xf32, #tpu.memory_space<vmem_shared>>)
    %dma_wait3A_13 = tpu.memref_slice %arg3[%mul3A_2] : memref<322560xi32, #tpu.memory_space<hbm>> -> memref<10080xi32, #tpu.memory_space<hbm>>
    %dma_wait3A_14 = tpu.memref_slice %arg3[%mul3A_2] : memref<322560xi32, #tpu.memory_space<hbm>> -> memref<10080xi32, #tpu.memory_space<hbm>>
    tpu.wait_dma2 semaphore(%arg12 : memref<!tpu.dma_semaphore, #tpu.memory_space<semaphore_mem>>) src(%dma_wait3A_14 : memref<10080xi32, #tpu.memory_space<hbm>>) dst(%arg7 : memref<10080xi32, #tpu.memory_space<vmem>>)
    %barrier3A = arith.constant 0 : index
    tpu.barrier barrier_id(%barrier3A)
    %dma_start3A_15 = arith.constant 0 : i32
    %dma_start3A_16 = tpu.memref_slice %arg7[%dma_start3A_15] : memref<10080xi32, #tpu.memory_space<vmem>> -> memref<96xi32, #tpu.memory_space<vmem>>
    %dma_start3A_17 = arith.constant 0 : i32
    %dma_start3A_18 = arith.constant 0 : i32
    %dma_start3A_19 = tpu.memref_slice %arg2[%dma_start3A_17, %dma_start3A_18] : memref<10000x128xf32, #tpu.memory_space<hbm>> -> memref<10000x128xf32, #tpu.memory_space<hbm>>
    tpu.enqueue_indirect_dma source(%dma_start3A_19 : memref<10000x128xf32, #tpu.memory_space<hbm>>) target(%arg9 : memref<96x128xf32, #tpu.memory_space<vmem>>) offsets(%dma_start3A_16 : memref<96xi32, #tpu.memory_space<vmem>>) semaphore(%arg11 : memref<!tpu.dma_semaphore, #tpu.memory_space<semaphore_mem>>)
    %dma_start3A_20 = arith.constant 96 : i32
    %dma_start3A_21 = tpu.memref_slice %arg7[%dma_start3A_20] : memref<10080xi32, #tpu.memory_space<vmem>> -> memref<96xi32, #tpu.memory_space<vmem>>
    %dma_start3A_22 = arith.constant 0 : i32
    %dma_start3A_23 = arith.constant 0 : i32
    %dma_start3A_24 = tpu.memref_slice %arg2[%dma_start3A_22, %dma_start3A_23] : memref<10000x128xf32, #tpu.memory_space<hbm>> -> memref<10000x128xf32, #tpu.memory_space<hbm>>
    tpu.enqueue_indirect_dma source(%dma_start3A_24 : memref<10000x128xf32, #tpu.memory_space<hbm>>) target(%arg10 : memref<96x128xf32, #tpu.memory_space<vmem>>) offsets(%dma_start3A_21 : memref<96xi32, #tpu.memory_space<vmem>>) semaphore(%arg12 : memref<!tpu.dma_semaphore, #tpu.memory_space<semaphore_mem>>)
    %scan3A = arith.constant 0 : i32
    %scan3A_25 = arith.constant 105 : i32
    %scan3A_26 = arith.addi %scan3A, %scan3A_25 : i32
    %scan3A_27 = arith.constant 1 : i32
    scf.for %scan3A_30 = %scan3A to %scan3A_26 step %scan3A_27  : i32 {
      %mul3A_31 = arith.constant 1 : i32
      %mul3A_32 = arith.muli %scan3A_30, %mul3A_31 : i32
      %add3A_33 = arith.constant 0 : i32
      %add3A_34 = arith.addi %add3A_33, %mul3A_32 : i32
      %mul3A_35 = arith.constant 96 : i32
      %mul3A_36 = arith.muli %add3A_34, %mul3A_35 : i32
      %rem3A = arith.constant 2 : i32
      %rem3A_37 = arith.remsi %add3A_34, %rem3A : i32
      %eq3A = arith.constant 0 : i32
      %eq3A_38 = arith.cmpi eq, %rem3A_37, %eq3A : i32
      %convert_element_type3A = arith.extui %eq3A_38 : i1 to i32
      %cond3A = arith.constant 0 : i32
      %cond3A_39 = arith.cmpi ne, %convert_element_type3A, %cond3A : i32
      scf.if %cond3A_39 {
        %dma_wait3A_47 = tpu.memref_slice %arg7[%mul3A_36] : memref<10080xi32, #tpu.memory_space<vmem>> -> memref<96xi32, #tpu.memory_space<vmem>>
        %dma_wait3A_48 = arith.constant 0 : i32
        %dma_wait3A_49 = arith.constant 0 : i32
        %dma_wait3A_50 = tpu.memref_slice %arg2[%dma_wait3A_48, %dma_wait3A_49] : memref<10000x128xf32, #tpu.memory_space<hbm>> -> memref<10000x128xf32, #tpu.memory_space<hbm>>
        tpu.wait_indirect_dma semaphore(%arg11 : memref<!tpu.dma_semaphore, #tpu.memory_space<semaphore_mem>>) src(%dma_wait3A_50 : memref<10000x128xf32, #tpu.memory_space<hbm>>) dst(%arg9 : memref<96x128xf32, #tpu.memory_space<vmem>>)
        "tpu.region"() ({
          %run_scoped3A = tpu.sem_alloc : memref<!tpu.dma_semaphore, #tpu.memory_space<semaphore_mem>>
          %dma_start3A_57 = arith.constant 0 : i32
          %dma_start3A_58 = tpu.memref_slice %arg8[%add3A_34, %dma_start3A_57] : memref<105x96xi32, #tpu.memory_space<vmem>> -> memref<1x96xi32, #tpu.memory_space<vmem>>
          %dma_start3A_59 = tpu.memref_squeeze %dma_start3A_58 : memref<1x96xi32, #tpu.memory_space<vmem>> -> memref<96xi32, #tpu.memory_space<vmem>>
          %dma_start3A_60 = arith.constant 0 : i32
          %dma_start3A_61 = arith.constant 0 : i32
          %dma_start3A_62 = tpu.memref_slice %arg13[%dma_start3A_60, %dma_start3A_61] : memref<10240x128xf32, #tpu.memory_space<vmem_shared>> -> memref<10240x128xf32, #tpu.memory_space<vmem_shared>>
          tpu.enqueue_indirect_dma source(%arg9 : memref<96x128xf32, #tpu.memory_space<vmem>>) target(%dma_start3A_62 : memref<10240x128xf32, #tpu.memory_space<vmem_shared>>) offsets(%dma_start3A_59 : memref<96xi32, #tpu.memory_space<vmem>>) semaphore(%run_scoped3A : memref<!tpu.dma_semaphore, #tpu.memory_space<semaphore_mem>>) {add = true}
          %dma_wait3A_63 = arith.constant 0 : i32
          %dma_wait3A_64 = tpu.memref_slice %arg8[%add3A_34, %dma_wait3A_63] : memref<105x96xi32, #tpu.memory_space<vmem>> -> memref<1x96xi32, #tpu.memory_space<vmem>>
          %dma_wait3A_65 = tpu.memref_squeeze %dma_wait3A_64 : memref<1x96xi32, #tpu.memory_space<vmem>> -> memref<96xi32, #tpu.memory_space<vmem>>
          %dma_wait3A_66 = arith.constant 0 : i32
          %dma_wait3A_67 = arith.constant 0 : i32
          %dma_wait3A_68 = tpu.memref_slice %arg13[%dma_wait3A_66, %dma_wait3A_67] : memref<10240x128xf32, #tpu.memory_space<vmem_shared>> -> memref<10240x128xf32, #tpu.memory_space<vmem_shared>>
          tpu.wait_indirect_dma semaphore(%run_scoped3A : memref<!tpu.dma_semaphore, #tpu.memory_space<semaphore_mem>>) src(%arg9 : memref<96x128xf32, #tpu.memory_space<vmem>>) dst(%dma_wait3A_68 : memref<10240x128xf32, #tpu.memory_space<vmem_shared>>)
          tpu.yield
        }) : () -> ()
        %add3A_51 = arith.constant 2 : i32
        %add3A_52 = arith.addi %add3A_34, %add3A_51 : i32
        %lt3A = arith.constant 105 : i32
        %lt3A_53 = arith.cmpi slt, %add3A_52, %lt3A : i32
        %convert_element_type3A_54 = arith.extui %lt3A_53 : i1 to i32
        %cond3A_55 = arith.constant 0 : i32
        %cond3A_56 = arith.cmpi ne, %convert_element_type3A_54, %cond3A_55 : i32
        scf.if %cond3A_56 {
          %add3A_57 = arith.constant 192 : i32
          %add3A_58 = arith.addi %mul3A_36, %add3A_57 : i32
          %dma_start3A_59 = tpu.memref_slice %arg7[%add3A_58] : memref<10080xi32, #tpu.memory_space<vmem>> -> memref<96xi32, #tpu.memory_space<vmem>>
          %dma_start3A_60 = arith.constant 0 : i32
          %dma_start3A_61 = arith.constant 0 : i32
          %dma_start3A_62 = tpu.memref_slice %arg2[%dma_start3A_60, %dma_start3A_61] : memref<10000x128xf32, #tpu.memory_space<hbm>> -> memref<10000x128xf32, #tpu.memory_space<hbm>>
          tpu.enqueue_indirect_dma source(%dma_start3A_62 : memref<10000x128xf32, #tpu.memory_space<hbm>>) target(%arg9 : memref<96x128xf32, #tpu.memory_space<vmem>>) offsets(%dma_start3A_59 : memref<96xi32, #tpu.memory_space<vmem>>) semaphore(%arg11 : memref<!tpu.dma_semaphore, #tpu.memory_space<semaphore_mem>>)
        } else {
        }
      } else {
      }
      %rem3A_40 = arith.constant 2 : i32
      %rem3A_41 = arith.remsi %add3A_34, %rem3A_40 : i32
      %eq3A_42 = arith.constant 1 : i32
      %eq3A_43 = arith.cmpi eq, %rem3A_41, %eq3A_42 : i32
      %convert_element_type3A_44 = arith.extui %eq3A_43 : i1 to i32
      %cond3A_45 = arith.constant 0 : i32
      %cond3A_46 = arith.cmpi ne, %convert_element_type3A_44, %cond3A_45 : i32
      scf.if %cond3A_46 {
        %dma_wait3A_47 = tpu.memref_slice %arg7[%mul3A_36] : memref<10080xi32, #tpu.memory_space<vmem>> -> memref<96xi32, #tpu.memory_space<vmem>>
        %dma_wait3A_48 = arith.constant 0 : i32
        %dma_wait3A_49 = arith.constant 0 : i32
        %dma_wait3A_50 = tpu.memref_slice %arg2[%dma_wait3A_48, %dma_wait3A_49] : memref<10000x128xf32, #tpu.memory_space<hbm>> -> memref<10000x128xf32, #tpu.memory_space<hbm>>
        tpu.wait_indirect_dma semaphore(%arg12 : memref<!tpu.dma_semaphore, #tpu.memory_space<semaphore_mem>>) src(%dma_wait3A_50 : memref<10000x128xf32, #tpu.memory_space<hbm>>) dst(%arg10 : memref<96x128xf32, #tpu.memory_space<vmem>>)
        "tpu.region"() ({
          %run_scoped3A = tpu.sem_alloc : memref<!tpu.dma_semaphore, #tpu.memory_space<semaphore_mem>>
          %dma_start3A_57 = arith.constant 0 : i32
          %dma_start3A_58 = tpu.memref_slice %arg8[%add3A_34, %dma_start3A_57] : memref<105x96xi32, #tpu.memory_space<vmem>> -> memref<1x96xi32, #tpu.memory_space<vmem>>
          %dma_start3A_59 = tpu.memref_squeeze %dma_start3A_58 : memref<1x96xi32, #tpu.memory_space<vmem>> -> memref<96xi32, #tpu.memory_space<vmem>>
          %dma_start3A_60 = arith.constant 0 : i32
          %dma_start3A_61 = arith.constant 0 : i32
          %dma_start3A_62 = tpu.memref_slice %arg13[%dma_start3A_60, %dma_start3A_61] : memref<10240x128xf32, #tpu.memory_space<vmem_shared>> -> memref<10240x128xf32, #tpu.memory_space<vmem_shared>>
          tpu.enqueue_indirect_dma source(%arg10 : memref<96x128xf32, #tpu.memory_space<vmem>>) target(%dma_start3A_62 : memref<10240x128xf32, #tpu.memory_space<vmem_shared>>) offsets(%dma_start3A_59 : memref<96xi32, #tpu.memory_space<vmem>>) semaphore(%run_scoped3A : memref<!tpu.dma_semaphore, #tpu.memory_space<semaphore_mem>>) {add = true}
          %dma_wait3A_63 = arith.constant 0 : i32
          %dma_wait3A_64 = tpu.memref_slice %arg8[%add3A_34, %dma_wait3A_63] : memref<105x96xi32, #tpu.memory_space<vmem>> -> memref<1x96xi32, #tpu.memory_space<vmem>>
          %dma_wait3A_65 = tpu.memref_squeeze %dma_wait3A_64 : memref<1x96xi32, #tpu.memory_space<vmem>> -> memref<96xi32, #tpu.memory_space<vmem>>
          %dma_wait3A_66 = arith.constant 0 : i32
          %dma_wait3A_67 = arith.constant 0 : i32
          %dma_wait3A_68 = tpu.memref_slice %arg13[%dma_wait3A_66, %dma_wait3A_67] : memref<10240x128xf32, #tpu.memory_space<vmem_shared>> -> memref<10240x128xf32, #tpu.memory_space<vmem_shared>>
          tpu.wait_indirect_dma semaphore(%run_scoped3A : memref<!tpu.dma_semaphore, #tpu.memory_space<semaphore_mem>>) src(%arg10 : memref<96x128xf32, #tpu.memory_space<vmem>>) dst(%dma_wait3A_68 : memref<10240x128xf32, #tpu.memory_space<vmem_shared>>)
          tpu.yield
        }) : () -> ()
        %add3A_51 = arith.constant 2 : i32
        %add3A_52 = arith.addi %add3A_34, %add3A_51 : i32
        %lt3A = arith.constant 105 : i32
        %lt3A_53 = arith.cmpi slt, %add3A_52, %lt3A : i32
        %convert_element_type3A_54 = arith.extui %lt3A_53 : i1 to i32
        %cond3A_55 = arith.constant 0 : i32
        %cond3A_56 = arith.cmpi ne, %convert_element_type3A_54, %cond3A_55 : i32
        scf.if %cond3A_56 {
          %add3A_57 = arith.constant 192 : i32
          %add3A_58 = arith.addi %mul3A_36, %add3A_57 : i32
          %dma_start3A_59 = tpu.memref_slice %arg7[%add3A_58] : memref<10080xi32, #tpu.memory_space<vmem>> -> memref<96xi32, #tpu.memory_space<vmem>>
          %dma_start3A_60 = arith.constant 0 : i32
          %dma_start3A_61 = arith.constant 0 : i32
          %dma_start3A_62 = tpu.memref_slice %arg2[%dma_start3A_60, %dma_start3A_61] : memref<10000x128xf32, #tpu.memory_space<hbm>> -> memref<10000x128xf32, #tpu.memory_space<hbm>>
          tpu.enqueue_indirect_dma source(%dma_start3A_62 : memref<10000x128xf32, #tpu.memory_space<hbm>>) target(%arg10 : memref<96x128xf32, #tpu.memory_space<vmem>>) offsets(%dma_start3A_59 : memref<96xi32, #tpu.memory_space<vmem>>) semaphore(%arg12 : memref<!tpu.dma_semaphore, #tpu.memory_space<semaphore_mem>>)
        } else {
        }
      } else {
      }
    }
    %scan3A_28 = arith.constant 105 : i32
    %barrier3A_29 = arith.constant 0 : index
    tpu.barrier barrier_id(%barrier3A_29)
    "tpu.region"() ({
      %run_scoped3A = tpu.sem_alloc : memref<!tpu.dma_semaphore, #tpu.memory_space<semaphore_mem>>
      %dma_start3A_30 = arith.constant 0 : i32
      %dma_start3A_31 = tpu.memref_slice %arg6[%arg0, %mul3A_4, %dma_start3A_30] : memref<2x10240x128xf32, #tpu.memory_space<hbm>> -> memref<1x640x128xf32, #tpu.memory_space<hbm>>
      %dma_start3A_32 = tpu.memref_squeeze %dma_start3A_31 : memref<1x640x128xf32, #tpu.memory_space<hbm>> -> memref<640x128xf32, #tpu.memory_space<hbm>>
      %dma_start3A_33 = arith.constant 0 : i32
      %dma_start3A_34 = tpu.memref_slice %arg13[%mul3A_4, %dma_start3A_33] : memref<10240x128xf32, #tpu.memory_space<vmem_shared>> -> memref<640x128xf32, #tpu.memory_space<vmem_shared>>
      tpu.enqueue_dma source(%dma_start3A_34 : memref<640x128xf32, #tpu.memory_space<vmem_shared>>) target(%dma_start3A_32 : memref<640x128xf32, #tpu.memory_space<hbm>>) target_semaphore(%run_scoped3A : memref<!tpu.dma_semaphore, #tpu.memory_space<semaphore_mem>>)
      %dma_wait3A_35 = arith.constant 0 : i32
      %dma_wait3A_36 = tpu.memref_slice %arg6[%arg0, %mul3A_4, %dma_wait3A_35] : memref<2x10240x128xf32, #tpu.memory_space<hbm>> -> memref<1x640x128xf32, #tpu.memory_space<hbm>>
      %dma_wait3A_37 = tpu.memref_squeeze %dma_wait3A_36 : memref<1x640x128xf32, #tpu.memory_space<hbm>> -> memref<640x128xf32, #tpu.memory_space<hbm>>
      %dma_wait3A_38 = arith.constant 0 : i32
      %dma_wait3A_39 = tpu.memref_slice %arg13[%mul3A_4, %dma_wait3A_38] : memref<10240x128xf32, #tpu.memory_space<vmem_shared>> -> memref<640x128xf32, #tpu.memory_space<vmem_shared>>
      tpu.wait_dma2 semaphore(%run_scoped3A : memref<!tpu.dma_semaphore, #tpu.memory_space<semaphore_mem>>) src(%dma_wait3A_39 : memref<640x128xf32, #tpu.memory_space<vmem_shared>>) dst(%dma_wait3A_37 : memref<640x128xf32, #tpu.memory_space<hbm>>)
      tpu.yield
    }) : () -> ()
    return
  }
}

#map = affine_map<(d0, d1) -> (0, 0)>
#map1 = affine_map<(d0, d1) -> (0)>
#map2 = affine_map<(d0, d1) -> (0, 0, 0)>
module attributes {stable_mosaic.version = 14 : i64} {
  func.func @_sc_agg(%arg0: i32, %arg1: i32, %arg2: memref<10000x128xf32, #tpu.memory_space<hbm>>, %arg3: memref<322560xi32, #tpu.memory_space<hbm>>, %arg4: memref<32x105x96xi32, #tpu.memory_space<hbm>>, %arg5: memref<10240x128xf32, #tpu.memory_space<hbm>>, %arg6: memref<2x10240x128xf32, #tpu.memory_space<hbm>>, %arg7: memref<10080xi32, #tpu.memory_space<vmem>>, %arg8: memref<105x96xi32, #tpu.memory_space<vmem>>, %arg9: memref<96x128xf32, #tpu.memory_space<vmem>>, %arg10: memref<96x128xf32, #tpu.memory_space<vmem>>, %arg11: memref<!tpu.dma_semaphore, #tpu.memory_space<semaphore_mem>>, %arg12: memref<!tpu.dma_semaphore, #tpu.memory_space<semaphore_mem>>, %arg13: memref<10240x128xf32, #tpu.memory_space<vmem_shared>>) attributes {dimension_semantics = [#tpu.dimension_semantics<core_parallel>, #tpu.dimension_semantics<subcore_parallel>], iteration_bounds = array<i64: 2, 16>, scalar_prefetch = 0 : i64, scratch_operands = 7 : i64, tpu.core_type = #tpu.core_type<sc_vector_subcore>, window_params = [{transform_indices = #map}, {transform_indices = #map1}, {transform_indices = #map2}, {transform_indices = #map}, {transform_indices = #map2}]} {
    %mul3A = arith.constant 16 : i32
    %mul3A_0 = arith.muli %arg0, %mul3A : i32
    %add3A = arith.addi %mul3A_0, %arg1 : i32
    %mul3A_1 = arith.constant 10080 : i32
    %mul3A_2 = arith.muli %add3A, %mul3A_1 : i32
    %mul3A_3 = arith.constant 640 : i32
    %mul3A_4 = arith.muli %arg1, %mul3A_3 : i32
    %dma_start3A = arith.constant 0 : i32
    %dma_start3A_5 = tpu.memref_slice %arg13[%mul3A_4, %dma_start3A] : memref<10240x128xf32, #tpu.memory_space<vmem_shared>> -> memref<640x128xf32, #tpu.memory_space<vmem_shared>>
    %dma_start3A_6 = arith.constant 0 : i32
    %dma_start3A_7 = tpu.memref_slice %arg5[%mul3A_4, %dma_start3A_6] : memref<10240x128xf32, #tpu.memory_space<hbm>> -> memref<640x128xf32, #tpu.memory_space<hbm>>
    tpu.enqueue_dma source(%dma_start3A_7 : memref<640x128xf32, #tpu.memory_space<hbm>>) target(%dma_start3A_5 : memref<640x128xf32, #tpu.memory_space<vmem_shared>>) target_semaphore(%arg11 : memref<!tpu.dma_semaphore, #tpu.memory_space<semaphore_mem>>)
    %dma_start3A_8 = tpu.memref_slice %arg3[%mul3A_2] : memref<322560xi32, #tpu.memory_space<hbm>> -> memref<10080xi32, #tpu.memory_space<hbm>>
    %dma_start3A_9 = tpu.memref_slice %arg3[%mul3A_2] : memref<322560xi32, #tpu.memory_space<hbm>> -> memref<10080xi32, #tpu.memory_space<hbm>>
    tpu.enqueue_dma source(%dma_start3A_9 : memref<10080xi32, #tpu.memory_space<hbm>>) target(%arg7 : memref<10080xi32, #tpu.memory_space<vmem>>) target_semaphore(%arg12 : memref<!tpu.dma_semaphore, #tpu.memory_space<semaphore_mem>>)
    "tpu.region"() ({
      %run_scoped3A = tpu.sem_alloc : memref<!tpu.dma_semaphore, #tpu.memory_space<semaphore_mem>>
      %dma_start3A_30 = arith.constant 0 : i32
      %dma_start3A_31 = arith.constant 0 : i32
      %dma_start3A_32 = tpu.memref_slice %arg4[%add3A, %dma_start3A_30, %dma_start3A_31] : memref<32x105x96xi32, #tpu.memory_space<hbm>> -> memref<1x105x96xi32, #tpu.memory_space<hbm>>
      %dma_start3A_33 = tpu.memref_squeeze %dma_start3A_32 : memref<1x105x96xi32, #tpu.memory_space<hbm>> -> memref<105x96xi32, #tpu.memory_space<hbm>>
      %dma_start3A_34 = arith.constant 0 : i32
      %dma_start3A_35 = arith.constant 0 : i32
      %dma_start3A_36 = tpu.memref_slice %arg4[%add3A, %dma_start3A_34, %dma_start3A_35] : memref<32x105x96xi32, #tpu.memory_space<hbm>> -> memref<1x105x96xi32, #tpu.memory_space<hbm>>
      %dma_start3A_37 = tpu.memref_squeeze %dma_start3A_36 : memref<1x105x96xi32, #tpu.memory_space<hbm>> -> memref<105x96xi32, #tpu.memory_space<hbm>>
      tpu.enqueue_dma source(%dma_start3A_37 : memref<105x96xi32, #tpu.memory_space<hbm>>) target(%arg8 : memref<105x96xi32, #tpu.memory_space<vmem>>) target_semaphore(%run_scoped3A : memref<!tpu.dma_semaphore, #tpu.memory_space<semaphore_mem>>)
      %dma_wait3A_38 = arith.constant 0 : i32
      %dma_wait3A_39 = arith.constant 0 : i32
      %dma_wait3A_40 = tpu.memref_slice %arg4[%add3A, %dma_wait3A_38, %dma_wait3A_39] : memref<32x105x96xi32, #tpu.memory_space<hbm>> -> memref<1x105x96xi32, #tpu.memory_space<hbm>>
      %dma_wait3A_41 = tpu.memref_squeeze %dma_wait3A_40 : memref<1x105x96xi32, #tpu.memory_space<hbm>> -> memref<105x96xi32, #tpu.memory_space<hbm>>
      %dma_wait3A_42 = arith.constant 0 : i32
      %dma_wait3A_43 = arith.constant 0 : i32
      %dma_wait3A_44 = tpu.memref_slice %arg4[%add3A, %dma_wait3A_42, %dma_wait3A_43] : memref<32x105x96xi32, #tpu.memory_space<hbm>> -> memref<1x105x96xi32, #tpu.memory_space<hbm>>
      %dma_wait3A_45 = tpu.memref_squeeze %dma_wait3A_44 : memref<1x105x96xi32, #tpu.memory_space<hbm>> -> memref<105x96xi32, #tpu.memory_space<hbm>>
      tpu.wait_dma2 semaphore(%run_scoped3A : memref<!tpu.dma_semaphore, #tpu.memory_space<semaphore_mem>>) src(%dma_wait3A_45 : memref<105x96xi32, #tpu.memory_space<hbm>>) dst(%arg8 : memref<105x96xi32, #tpu.memory_space<vmem>>)
      tpu.yield
    }) : () -> ()
    %dma_wait3A = arith.constant 0 : i32
    %dma_wait3A_10 = tpu.memref_slice %arg13[%mul3A_4, %dma_wait3A] : memref<10240x128xf32, #tpu.memory_space<vmem_shared>> -> memref<640x128xf32, #tpu.memory_space<vmem_shared>>
    %dma_wait3A_11 = arith.constant 0 : i32
    %dma_wait3A_12 = tpu.memref_slice %arg5[%mul3A_4, %dma_wait3A_11] : memref<10240x128xf32, #tpu.memory_space<hbm>> -> memref<640x128xf32, #tpu.memory_space<hbm>>
    tpu.wait_dma2 semaphore(%arg11 : memref<!tpu.dma_semaphore, #tpu.memory_space<semaphore_mem>>) src(%dma_wait3A_12 : memref<640x128xf32, #tpu.memory_space<hbm>>) dst(%dma_wait3A_10 : memref<640x128xf32, #tpu.memory_space<vmem_shared>>)
    %dma_wait3A_13 = tpu.memref_slice %arg3[%mul3A_2] : memref<322560xi32, #tpu.memory_space<hbm>> -> memref<10080xi32, #tpu.memory_space<hbm>>
    %dma_wait3A_14 = tpu.memref_slice %arg3[%mul3A_2] : memref<322560xi32, #tpu.memory_space<hbm>> -> memref<10080xi32, #tpu.memory_space<hbm>>
    tpu.wait_dma2 semaphore(%arg12 : memref<!tpu.dma_semaphore, #tpu.memory_space<semaphore_mem>>) src(%dma_wait3A_14 : memref<10080xi32, #tpu.memory_space<hbm>>) dst(%arg7 : memref<10080xi32, #tpu.memory_space<vmem>>)
    %barrier3A = arith.constant 0 : index
    tpu.barrier barrier_id(%barrier3A)
    %dma_start3A_15 = arith.constant 0 : i32
    %dma_start3A_16 = tpu.memref_slice %arg7[%dma_start3A_15] : memref<10080xi32, #tpu.memory_space<vmem>> -> memref<96xi32, #tpu.memory_space<vmem>>
    %dma_start3A_17 = arith.constant 0 : i32
    %dma_start3A_18 = arith.constant 0 : i32
    %dma_start3A_19 = tpu.memref_slice %arg2[%dma_start3A_17, %dma_start3A_18] : memref<10000x128xf32, #tpu.memory_space<hbm>> -> memref<10000x128xf32, #tpu.memory_space<hbm>>
    tpu.enqueue_indirect_dma source(%dma_start3A_19 : memref<10000x128xf32, #tpu.memory_space<hbm>>) target(%arg9 : memref<96x128xf32, #tpu.memory_space<vmem>>) offsets(%dma_start3A_16 : memref<96xi32, #tpu.memory_space<vmem>>) semaphore(%arg11 : memref<!tpu.dma_semaphore, #tpu.memory_space<semaphore_mem>>)
    %dma_start3A_20 = arith.constant 96 : i32
    %dma_start3A_21 = tpu.memref_slice %arg7[%dma_start3A_20] : memref<10080xi32, #tpu.memory_space<vmem>> -> memref<96xi32, #tpu.memory_space<vmem>>
    %dma_start3A_22 = arith.constant 0 : i32
    %dma_start3A_23 = arith.constant 0 : i32
    %dma_start3A_24 = tpu.memref_slice %arg2[%dma_start3A_22, %dma_start3A_23] : memref<10000x128xf32, #tpu.memory_space<hbm>> -> memref<10000x128xf32, #tpu.memory_space<hbm>>
    tpu.enqueue_indirect_dma source(%dma_start3A_24 : memref<10000x128xf32, #tpu.memory_space<hbm>>) target(%arg10 : memref<96x128xf32, #tpu.memory_space<vmem>>) offsets(%dma_start3A_21 : memref<96xi32, #tpu.memory_space<vmem>>) semaphore(%arg12 : memref<!tpu.dma_semaphore, #tpu.memory_space<semaphore_mem>>)
    %scan3A = arith.constant 0 : i32
    %scan3A_25 = arith.constant 105 : i32
    %scan3A_26 = arith.addi %scan3A, %scan3A_25 : i32
    %scan3A_27 = arith.constant 1 : i32
    scf.for %scan3A_30 = %scan3A to %scan3A_26 step %scan3A_27  : i32 {
      %mul3A_31 = arith.constant 1 : i32
      %mul3A_32 = arith.muli %scan3A_30, %mul3A_31 : i32
      %add3A_33 = arith.constant 0 : i32
      %add3A_34 = arith.addi %add3A_33, %mul3A_32 : i32
      %mul3A_35 = arith.constant 96 : i32
      %mul3A_36 = arith.muli %add3A_34, %mul3A_35 : i32
      %rem3A = arith.constant 2 : i32
      %rem3A_37 = arith.remsi %add3A_34, %rem3A : i32
      %eq3A = arith.constant 0 : i32
      %eq3A_38 = arith.cmpi eq, %rem3A_37, %eq3A : i32
      %convert_element_type3A = arith.extui %eq3A_38 : i1 to i32
      %cond3A = arith.constant 0 : i32
      %cond3A_39 = arith.cmpi ne, %convert_element_type3A, %cond3A : i32
      scf.if %cond3A_39 {
        %dma_wait3A_47 = tpu.memref_slice %arg7[%mul3A_36] : memref<10080xi32, #tpu.memory_space<vmem>> -> memref<96xi32, #tpu.memory_space<vmem>>
        %dma_wait3A_48 = arith.constant 0 : i32
        %dma_wait3A_49 = arith.constant 0 : i32
        %dma_wait3A_50 = tpu.memref_slice %arg2[%dma_wait3A_48, %dma_wait3A_49] : memref<10000x128xf32, #tpu.memory_space<hbm>> -> memref<10000x128xf32, #tpu.memory_space<hbm>>
        tpu.wait_indirect_dma semaphore(%arg11 : memref<!tpu.dma_semaphore, #tpu.memory_space<semaphore_mem>>) src(%dma_wait3A_50 : memref<10000x128xf32, #tpu.memory_space<hbm>>) dst(%arg9 : memref<96x128xf32, #tpu.memory_space<vmem>>)
        "tpu.region"() ({
          %run_scoped3A = tpu.sem_alloc : memref<!tpu.dma_semaphore, #tpu.memory_space<semaphore_mem>>
          %dma_start3A_57 = arith.constant 0 : i32
          %dma_start3A_58 = tpu.memref_slice %arg8[%add3A_34, %dma_start3A_57] : memref<105x96xi32, #tpu.memory_space<vmem>> -> memref<1x96xi32, #tpu.memory_space<vmem>>
          %dma_start3A_59 = tpu.memref_squeeze %dma_start3A_58 : memref<1x96xi32, #tpu.memory_space<vmem>> -> memref<96xi32, #tpu.memory_space<vmem>>
          %dma_start3A_60 = arith.constant 0 : i32
          %dma_start3A_61 = arith.constant 0 : i32
          %dma_start3A_62 = tpu.memref_slice %arg13[%dma_start3A_60, %dma_start3A_61] : memref<10240x128xf32, #tpu.memory_space<vmem_shared>> -> memref<10240x128xf32, #tpu.memory_space<vmem_shared>>
          tpu.enqueue_indirect_dma source(%arg9 : memref<96x128xf32, #tpu.memory_space<vmem>>) target(%dma_start3A_62 : memref<10240x128xf32, #tpu.memory_space<vmem_shared>>) offsets(%dma_start3A_59 : memref<96xi32, #tpu.memory_space<vmem>>) semaphore(%run_scoped3A : memref<!tpu.dma_semaphore, #tpu.memory_space<semaphore_mem>>) {add = true}
          %dma_wait3A_63 = arith.constant 0 : i32
          %dma_wait3A_64 = tpu.memref_slice %arg8[%add3A_34, %dma_wait3A_63] : memref<105x96xi32, #tpu.memory_space<vmem>> -> memref<1x96xi32, #tpu.memory_space<vmem>>
          %dma_wait3A_65 = tpu.memref_squeeze %dma_wait3A_64 : memref<1x96xi32, #tpu.memory_space<vmem>> -> memref<96xi32, #tpu.memory_space<vmem>>
          %dma_wait3A_66 = arith.constant 0 : i32
          %dma_wait3A_67 = arith.constant 0 : i32
          %dma_wait3A_68 = tpu.memref_slice %arg13[%dma_wait3A_66, %dma_wait3A_67] : memref<10240x128xf32, #tpu.memory_space<vmem_shared>> -> memref<10240x128xf32, #tpu.memory_space<vmem_shared>>
          tpu.wait_indirect_dma semaphore(%run_scoped3A : memref<!tpu.dma_semaphore, #tpu.memory_space<semaphore_mem>>) src(%arg9 : memref<96x128xf32, #tpu.memory_space<vmem>>) dst(%dma_wait3A_68 : memref<10240x128xf32, #tpu.memory_space<vmem_shared>>)
          tpu.yield
        }) : () -> ()
        %add3A_51 = arith.constant 2 : i32
        %add3A_52 = arith.addi %add3A_34, %add3A_51 : i32
        %lt3A = arith.constant 105 : i32
        %lt3A_53 = arith.cmpi slt, %add3A_52, %lt3A : i32
        %convert_element_type3A_54 = arith.extui %lt3A_53 : i1 to i32
        %cond3A_55 = arith.constant 0 : i32
        %cond3A_56 = arith.cmpi ne, %convert_element_type3A_54, %cond3A_55 : i32
        scf.if %cond3A_56 {
          %add3A_57 = arith.constant 192 : i32
          %add3A_58 = arith.addi %mul3A_36, %add3A_57 : i32
          %dma_start3A_59 = tpu.memref_slice %arg7[%add3A_58] : memref<10080xi32, #tpu.memory_space<vmem>> -> memref<96xi32, #tpu.memory_space<vmem>>
          %dma_start3A_60 = arith.constant 0 : i32
          %dma_start3A_61 = arith.constant 0 : i32
          %dma_start3A_62 = tpu.memref_slice %arg2[%dma_start3A_60, %dma_start3A_61] : memref<10000x128xf32, #tpu.memory_space<hbm>> -> memref<10000x128xf32, #tpu.memory_space<hbm>>
          tpu.enqueue_indirect_dma source(%dma_start3A_62 : memref<10000x128xf32, #tpu.memory_space<hbm>>) target(%arg9 : memref<96x128xf32, #tpu.memory_space<vmem>>) offsets(%dma_start3A_59 : memref<96xi32, #tpu.memory_space<vmem>>) semaphore(%arg11 : memref<!tpu.dma_semaphore, #tpu.memory_space<semaphore_mem>>)
        } else {
        }
      } else {
      }
      %rem3A_40 = arith.constant 2 : i32
      %rem3A_41 = arith.remsi %add3A_34, %rem3A_40 : i32
      %eq3A_42 = arith.constant 1 : i32
      %eq3A_43 = arith.cmpi eq, %rem3A_41, %eq3A_42 : i32
      %convert_element_type3A_44 = arith.extui %eq3A_43 : i1 to i32
      %cond3A_45 = arith.constant 0 : i32
      %cond3A_46 = arith.cmpi ne, %convert_element_type3A_44, %cond3A_45 : i32
      scf.if %cond3A_46 {
        %dma_wait3A_47 = tpu.memref_slice %arg7[%mul3A_36] : memref<10080xi32, #tpu.memory_space<vmem>> -> memref<96xi32, #tpu.memory_space<vmem>>
        %dma_wait3A_48 = arith.constant 0 : i32
        %dma_wait3A_49 = arith.constant 0 : i32
        %dma_wait3A_50 = tpu.memref_slice %arg2[%dma_wait3A_48, %dma_wait3A_49] : memref<10000x128xf32, #tpu.memory_space<hbm>> -> memref<10000x128xf32, #tpu.memory_space<hbm>>
        tpu.wait_indirect_dma semaphore(%arg12 : memref<!tpu.dma_semaphore, #tpu.memory_space<semaphore_mem>>) src(%dma_wait3A_50 : memref<10000x128xf32, #tpu.memory_space<hbm>>) dst(%arg10 : memref<96x128xf32, #tpu.memory_space<vmem>>)
        "tpu.region"() ({
          %run_scoped3A = tpu.sem_alloc : memref<!tpu.dma_semaphore, #tpu.memory_space<semaphore_mem>>
          %dma_start3A_57 = arith.constant 0 : i32
          %dma_start3A_58 = tpu.memref_slice %arg8[%add3A_34, %dma_start3A_57] : memref<105x96xi32, #tpu.memory_space<vmem>> -> memref<1x96xi32, #tpu.memory_space<vmem>>
          %dma_start3A_59 = tpu.memref_squeeze %dma_start3A_58 : memref<1x96xi32, #tpu.memory_space<vmem>> -> memref<96xi32, #tpu.memory_space<vmem>>
          %dma_start3A_60 = arith.constant 0 : i32
          %dma_start3A_61 = arith.constant 0 : i32
          %dma_start3A_62 = tpu.memref_slice %arg13[%dma_start3A_60, %dma_start3A_61] : memref<10240x128xf32, #tpu.memory_space<vmem_shared>> -> memref<10240x128xf32, #tpu.memory_space<vmem_shared>>
          tpu.enqueue_indirect_dma source(%arg10 : memref<96x128xf32, #tpu.memory_space<vmem>>) target(%dma_start3A_62 : memref<10240x128xf32, #tpu.memory_space<vmem_shared>>) offsets(%dma_start3A_59 : memref<96xi32, #tpu.memory_space<vmem>>) semaphore(%run_scoped3A : memref<!tpu.dma_semaphore, #tpu.memory_space<semaphore_mem>>) {add = true}
          %dma_wait3A_63 = arith.constant 0 : i32
          %dma_wait3A_64 = tpu.memref_slice %arg8[%add3A_34, %dma_wait3A_63] : memref<105x96xi32, #tpu.memory_space<vmem>> -> memref<1x96xi32, #tpu.memory_space<vmem>>
          %dma_wait3A_65 = tpu.memref_squeeze %dma_wait3A_64 : memref<1x96xi32, #tpu.memory_space<vmem>> -> memref<96xi32, #tpu.memory_space<vmem>>
          %dma_wait3A_66 = arith.constant 0 : i32
          %dma_wait3A_67 = arith.constant 0 : i32
          %dma_wait3A_68 = tpu.memref_slice %arg13[%dma_wait3A_66, %dma_wait3A_67] : memref<10240x128xf32, #tpu.memory_space<vmem_shared>> -> memref<10240x128xf32, #tpu.memory_space<vmem_shared>>
          tpu.wait_indirect_dma semaphore(%run_scoped3A : memref<!tpu.dma_semaphore, #tpu.memory_space<semaphore_mem>>) src(%arg10 : memref<96x128xf32, #tpu.memory_space<vmem>>) dst(%dma_wait3A_68 : memref<10240x128xf32, #tpu.memory_space<vmem_shared>>)
          tpu.yield
        }) : () -> ()
        %add3A_51 = arith.constant 2 : i32
        %add3A_52 = arith.addi %add3A_34, %add3A_51 : i32
        %lt3A = arith.constant 105 : i32
        %lt3A_53 = arith.cmpi slt, %add3A_52, %lt3A : i32
        %convert_element_type3A_54 = arith.extui %lt3A_53 : i1 to i32
        %cond3A_55 = arith.constant 0 : i32
        %cond3A_56 = arith.cmpi ne, %convert_element_type3A_54, %cond3A_55 : i32
        scf.if %cond3A_56 {
          %add3A_57 = arith.constant 192 : i32
          %add3A_58 = arith.addi %mul3A_36, %add3A_57 : i32
          %dma_start3A_59 = tpu.memref_slice %arg7[%add3A_58] : memref<10080xi32, #tpu.memory_space<vmem>> -> memref<96xi32, #tpu.memory_space<vmem>>
          %dma_start3A_60 = arith.constant 0 : i32
          %dma_start3A_61 = arith.constant 0 : i32
          %dma_start3A_62 = tpu.memref_slice %arg2[%dma_start3A_60, %dma_start3A_61] : memref<10000x128xf32, #tpu.memory_space<hbm>> -> memref<10000x128xf32, #tpu.memory_space<hbm>>
          tpu.enqueue_indirect_dma source(%dma_start3A_62 : memref<10000x128xf32, #tpu.memory_space<hbm>>) target(%arg10 : memref<96x128xf32, #tpu.memory_space<vmem>>) offsets(%dma_start3A_59 : memref<96xi32, #tpu.memory_space<vmem>>) semaphore(%arg12 : memref<!tpu.dma_semaphore, #tpu.memory_space<semaphore_mem>>)
        } else {
        }
      } else {
      }
    }
    %scan3A_28 = arith.constant 105 : i32
    %barrier3A_29 = arith.constant 0 : index
    tpu.barrier barrier_id(%barrier3A_29)
    "tpu.region"() ({
      %run_scoped3A = tpu.sem_alloc : memref<!tpu.dma_semaphore, #tpu.memory_space<semaphore_mem>>
      %dma_start3A_30 = arith.constant 0 : i32
      %dma_start3A_31 = tpu.memref_slice %arg6[%arg0, %mul3A_4, %dma_start3A_30] : memref<2x10240x128xf32, #tpu.memory_space<hbm>> -> memref<1x640x128xf32, #tpu.memory_space<hbm>>
      %dma_start3A_32 = tpu.memref_squeeze %dma_start3A_31 : memref<1x640x128xf32, #tpu.memory_space<hbm>> -> memref<640x128xf32, #tpu.memory_space<hbm>>
      %dma_start3A_33 = arith.constant 0 : i32
      %dma_start3A_34 = tpu.memref_slice %arg13[%mul3A_4, %dma_start3A_33] : memref<10240x128xf32, #tpu.memory_space<vmem_shared>> -> memref<640x128xf32, #tpu.memory_space<vmem_shared>>
      tpu.enqueue_dma source(%dma_start3A_34 : memref<640x128xf32, #tpu.memory_space<vmem_shared>>) target(%dma_start3A_32 : memref<640x128xf32, #tpu.memory_space<hbm>>) target_semaphore(%run_scoped3A : memref<!tpu.dma_semaphore, #tpu.memory_space<semaphore_mem>>)
      %dma_wait3A_35 = arith.constant 0 : i32
      %dma_wait3A_36 = tpu.memref_slice %arg6[%arg0, %mul3A_4, %dma_wait3A_35] : memref<2x10240x128xf32, #tpu.memory_space<hbm>> -> memref<1x640x128xf32, #tpu.memory_space<hbm>>
      %dma_wait3A_37 = tpu.memref_squeeze %dma_wait3A_36 : memref<1x640x128xf32, #tpu.memory_space<hbm>> -> memref<640x128xf32, #tpu.memory_space<hbm>>
      %dma_wait3A_38 = arith.constant 0 : i32
      %dma_wait3A_39 = tpu.memref_slice %arg13[%mul3A_4, %dma_wait3A_38] : memref<10240x128xf32, #tpu.memory_space<vmem_shared>> -> memref<640x128xf32, #tpu.memory_space<vmem_shared>>
      tpu.wait_dma2 semaphore(%run_scoped3A : memref<!tpu.dma_semaphore, #tpu.memory_space<semaphore_mem>>) src(%dma_wait3A_39 : memref<640x128xf32, #tpu.memory_space<vmem_shared>>) dst(%dma_wait3A_37 : memref<640x128xf32, #tpu.memory_space<hbm>>)
      tpu.yield
    }) : () -> ()
    return
  }
}

module attributes {stable_mosaic.version = 14 : i64} {
  func.func @_mlp1_body(%arg0: i32, %arg1: memref<2000x128xf32, #tpu.memory_space<vmem>>, %arg2: memref<2x2000x128xf32, #tpu.memory_space<vmem>>, %arg3: memref<128x128xf32, #tpu.memory_space<vmem>>, %arg4: memref<1x128xf32, #tpu.memory_space<vmem>>, %arg5: memref<2000x128xf32, #tpu.memory_space<vmem>>) attributes {dimension_semantics = [#tpu.dimension_semantics<arbitrary>], iteration_bounds = array<i64: 5>, scalar_prefetch = 0 : i64, scratch_operands = 0 : i64, tpu.core_type = #tpu.core_type<tc>, window_params = [{transform_indices = @transform_0, window_bounds = array<i64: 2000, 128>}, {transform_indices = @transform_1, window_bounds = array<i64: 2, 2000, 128>}, {pipeline_mode = #tpu.pipeline_mode<synchronous>, transform_indices = @transform_2, window_bounds = array<i64: 128, 128>}, {pipeline_mode = #tpu.pipeline_mode<synchronous>, transform_indices = @transform_3, window_bounds = array<i64: 1, 128>}, {transform_indices = @transform_4, window_bounds = array<i64: 2000, 128>}]} {
    %get3A = arith.constant 0 : index
    %get3A_0 = arith.constant 0 : index
    %get3A_1 = vector.load %arg1[%get3A, %get3A_0] : memref<2000x128xf32, #tpu.memory_space<vmem>>, vector<2000x128xf32>
    %get3A_2 = arith.constant 0 : index
    %get3A_3 = arith.constant 0 : index
    %get3A_4 = arith.constant 0 : index
    %get3A_5 = vector.load %arg2[%get3A_2, %get3A_3, %get3A_4] : memref<2x2000x128xf32, #tpu.memory_space<vmem>>, vector<1x2000x128xf32>
    %get3A_6 = vector.shape_cast %get3A_5 : vector<1x2000x128xf32> to vector<2000x128xf32>
    %add3A = arith.addf %get3A_1, %get3A_6 : vector<2000x128xf32>
    %get3A_7 = arith.constant 1 : index
    %get3A_8 = arith.constant 0 : index
    %get3A_9 = arith.constant 0 : index
    %get3A_10 = vector.load %arg2[%get3A_7, %get3A_8, %get3A_9] : memref<2x2000x128xf32, #tpu.memory_space<vmem>>, vector<1x2000x128xf32>
    %get3A_11 = vector.shape_cast %get3A_10 : vector<1x2000x128xf32> to vector<2000x128xf32>
    %add3A_12 = arith.addf %add3A, %get3A_11 : vector<2000x128xf32>
    %get3A_13 = arith.constant 0 : index
    %get3A_14 = arith.constant 0 : index
    %get3A_15 = vector.load %arg3[%get3A_13, %get3A_14] : memref<128x128xf32, #tpu.memory_space<vmem>>, vector<128x128xf32>
    %dot_general3A = arith.constant dense<0.000000e+00> : vector<2000x128xf32>
    %dot_general3A_16 = tpu.matmul %add3A_12, %get3A_15, %dot_general3A {dimension_numbers = #tpu.dot_dimension_numbers<[1], [1], [0], [0], [0, 0, 1, 0], [], []>, precision = #tpu.contract_precision<fp32>, transpose_lhs_hint = false} : vector<2000x128xf32>, vector<128x128xf32>, vector<2000x128xf32> -> vector<2000x128xf32>
    %get3A_17 = arith.constant 0 : index
    %get3A_18 = arith.constant 0 : index
    %get3A_19 = vector.load %arg4[%get3A_17, %get3A_18] : memref<1x128xf32, #tpu.memory_space<vmem>>, vector<1x128xf32>
    %add3A_20 = vector.broadcast %get3A_19 : vector<1x128xf32> to vector<2000x128xf32>
    %add3A_21 = arith.addf %dot_general3A_16, %add3A_20 : vector<2000x128xf32>
    %max3A = arith.constant 0.000000e+00 : f32
    %max3A_22 = vector.broadcast %max3A : f32 to vector<2000x128xf32>
    %max3A_23 = arith.maximumf %add3A_21, %max3A_22 : vector<2000x128xf32>
    %swap3A = arith.constant 0 : index
    %swap3A_24 = arith.constant 0 : index
    %swap3A_25 = vector.load %arg5[%swap3A, %swap3A_24] : memref<2000x128xf32, #tpu.memory_space<vmem>>, vector<2000x128xf32>
    tpu.vector_store %arg5[%swap3A, %swap3A_24], %max3A_23 {strides = array<i32>} : memref<2000x128xf32, #tpu.memory_space<vmem>>, vector<2000x128xf32>,
    return
  }
  func.func @transform_0(%arg0: i32) -> (i32, i32) {
    %c0_i32 = arith.constant 0 : i32
    %c0_i32_0 = arith.constant 0 : i32
    return %arg0, %c0_i32 : i32, i32
  }
  func.func @transform_1(%arg0: i32) -> (i32, i32, i32) {
    %c0_i32 = arith.constant 0 : i32
    %c0_i32_0 = arith.constant 0 : i32
    %c0_i32_1 = arith.constant 0 : i32
    return %c0_i32, %arg0, %c0_i32_0 : i32, i32, i32
  }
  func.func @transform_2(%arg0: i32) -> (i32, i32) {
    %c0_i32 = arith.constant 0 : i32
    %c0_i32_0 = arith.constant 0 : i32
    %c0_i32_1 = arith.constant 0 : i32
    return %c0_i32, %c0_i32_0 : i32, i32
  }
  func.func @transform_3(%arg0: i32) -> (i32, i32) {
    %c0_i32 = arith.constant 0 : i32
    %c0_i32_0 = arith.constant 0 : i32
    %c0_i32_1 = arith.constant 0 : i32
    return %c0_i32, %c0_i32_0 : i32, i32
  }
  func.func @transform_4(%arg0: i32) -> (i32, i32) {
    %c0_i32 = arith.constant 0 : i32
    %c0_i32_0 = arith.constant 0 : i32
    return %arg0, %c0_i32 : i32, i32
  }
}

module attributes {stable_mosaic.version = 14 : i64} {
  func.func @_mlp2_body(%arg0: i32, %arg1: memref<2000x128xf32, #tpu.memory_space<vmem>>, %arg2: memref<2x2000x128xf32, #tpu.memory_space<vmem>>, %arg3: memref<128x128xf32, #tpu.memory_space<vmem>>, %arg4: memref<1x128xf32, #tpu.memory_space<vmem>>, %arg5: memref<2000x128xf32, #tpu.memory_space<vmem>>) attributes {dimension_semantics = [#tpu.dimension_semantics<arbitrary>], iteration_bounds = array<i64: 5>, scalar_prefetch = 0 : i64, scratch_operands = 0 : i64, tpu.core_type = #tpu.core_type<tc>, window_params = [{transform_indices = @transform_0, window_bounds = array<i64: 2000, 128>}, {transform_indices = @transform_1, window_bounds = array<i64: 2, 2000, 128>}, {pipeline_mode = #tpu.pipeline_mode<synchronous>, transform_indices = @transform_2, window_bounds = array<i64: 128, 128>}, {pipeline_mode = #tpu.pipeline_mode<synchronous>, transform_indices = @transform_3, window_bounds = array<i64: 1, 128>}, {transform_indices = @transform_4, window_bounds = array<i64: 2000, 128>}]} {
    %get3A = arith.constant 0 : index
    %get3A_0 = arith.constant 0 : index
    %get3A_1 = vector.load %arg1[%get3A, %get3A_0] : memref<2000x128xf32, #tpu.memory_space<vmem>>, vector<2000x128xf32>
    %get3A_2 = arith.constant 0 : index
    %get3A_3 = arith.constant 0 : index
    %get3A_4 = arith.constant 0 : index
    %get3A_5 = vector.load %arg2[%get3A_2, %get3A_3, %get3A_4] : memref<2x2000x128xf32, #tpu.memory_space<vmem>>, vector<1x2000x128xf32>
    %get3A_6 = vector.shape_cast %get3A_5 : vector<1x2000x128xf32> to vector<2000x128xf32>
    %add3A = arith.addf %get3A_1, %get3A_6 : vector<2000x128xf32>
    %get3A_7 = arith.constant 1 : index
    %get3A_8 = arith.constant 0 : index
    %get3A_9 = arith.constant 0 : index
    %get3A_10 = vector.load %arg2[%get3A_7, %get3A_8, %get3A_9] : memref<2x2000x128xf32, #tpu.memory_space<vmem>>, vector<1x2000x128xf32>
    %get3A_11 = vector.shape_cast %get3A_10 : vector<1x2000x128xf32> to vector<2000x128xf32>
    %add3A_12 = arith.addf %add3A, %get3A_11 : vector<2000x128xf32>
    %get3A_13 = arith.constant 0 : index
    %get3A_14 = arith.constant 0 : index
    %get3A_15 = vector.load %arg3[%get3A_13, %get3A_14] : memref<128x128xf32, #tpu.memory_space<vmem>>, vector<128x128xf32>
    %dot_general3A = arith.constant dense<0.000000e+00> : vector<2000x128xf32>
    %dot_general3A_16 = tpu.matmul %add3A_12, %get3A_15, %dot_general3A {dimension_numbers = #tpu.dot_dimension_numbers<[1], [1], [0], [0], [0, 0, 1, 0], [], []>, precision = #tpu.contract_precision<fp32>, transpose_lhs_hint = false} : vector<2000x128xf32>, vector<128x128xf32>, vector<2000x128xf32> -> vector<2000x128xf32>
    %get3A_17 = arith.constant 0 : index
    %get3A_18 = arith.constant 0 : index
    %get3A_19 = vector.load %arg4[%get3A_17, %get3A_18] : memref<1x128xf32, #tpu.memory_space<vmem>>, vector<1x128xf32>
    %add3A_20 = vector.broadcast %get3A_19 : vector<1x128xf32> to vector<2000x128xf32>
    %add3A_21 = arith.addf %dot_general3A_16, %add3A_20 : vector<2000x128xf32>
    %reduce_max3A = arith.constant dense<0xFF800000> : vector<2000xf32>
    %reduce_max3A_22 = vector.multi_reduction <maximumf>, %add3A_21, %reduce_max3A [1] : vector<2000x128xf32> to vector<2000xf32>
    %broadcast_in_dim3A = vector.shape_cast %reduce_max3A_22 : vector<2000xf32> to vector<2000x1xf32>
    %sub3A = vector.broadcast %broadcast_in_dim3A : vector<2000x1xf32> to vector<2000x128xf32>
    %sub3A_23 = arith.subf %add3A_21, %sub3A : vector<2000x128xf32>
    %exp3A = math.exp %sub3A_23 : vector<2000x128xf32>
    %reduce_sum3A = arith.constant dense<0.000000e+00> : vector<2000xf32>
    %reduce_sum3A_24 = vector.multi_reduction <add>, %exp3A, %reduce_sum3A [1] : vector<2000x128xf32> to vector<2000xf32>
    %broadcast_in_dim3A_25 = vector.shape_cast %reduce_sum3A_24 : vector<2000xf32> to vector<2000x1xf32>
    %log3A = math.log %broadcast_in_dim3A_25 : vector<2000x1xf32>
    %add3A_26 = arith.addf %broadcast_in_dim3A, %log3A : vector<2000x1xf32>
    %sub3A_27 = vector.broadcast %add3A_26 : vector<2000x1xf32> to vector<2000x128xf32>
    %sub3A_28 = arith.subf %add3A_21, %sub3A_27 : vector<2000x128xf32>
    %swap3A = arith.constant 0 : index
    %swap3A_29 = arith.constant 0 : index
    %swap3A_30 = vector.load %arg5[%swap3A, %swap3A_29] : memref<2000x128xf32, #tpu.memory_space<vmem>>, vector<2000x128xf32>
    tpu.vector_store %arg5[%swap3A, %swap3A_29], %sub3A_28 {strides = array<i32>} : memref<2000x128xf32, #tpu.memory_space<vmem>>, vector<2000x128xf32>,
    return
  }
  func.func @transform_0(%arg0: i32) -> (i32, i32) {
    %c0_i32 = arith.constant 0 : i32
    %c0_i32_0 = arith.constant 0 : i32
    return %arg0, %c0_i32 : i32, i32
  }
  func.func @transform_1(%arg0: i32) -> (i32, i32, i32) {
    %c0_i32 = arith.constant 0 : i32
    %c0_i32_0 = arith.constant 0 : i32
    %c0_i32_1 = arith.constant 0 : i32
    return %c0_i32, %arg0, %c0_i32_0 : i32, i32, i32
  }
  func.func @transform_2(%arg0: i32) -> (i32, i32) {
    %c0_i32 = arith.constant 0 : i32
    %c0_i32_0 = arith.constant 0 : i32
    %c0_i32_1 = arith.constant 0 : i32
    return %c0_i32, %c0_i32_0 : i32, i32
  }
  func.func @transform_3(%arg0: i32) -> (i32, i32) {
    %c0_i32 = arith.constant 0 : i32
    %c0_i32_0 = arith.constant 0 : i32
    %c0_i32_1 = arith.constant 0 : i32
    return %c0_i32, %c0_i32_0 : i32, i32
  }
  func.func @transform_4(%arg0: i32) -> (i32, i32) {
    %c0_i32 = arith.constant 0 : i32
    %c0_i32_0 = arith.constant 0 : i32
    return %arg0, %c0_i32 : i32, i32
  }
}

</mosaic_0001>

<sc_bundles>
// kernel: kernel.6.cloned.1.call-start
scs
__scs_entry_jumppad:
0x0: {  	(pc) =	sbr.rel $0x88, $3  }
0x1: {  	(tag) =	ssettag $0x0;
	lr =	simm.s32 $0x1  }
0x2: {  	[smem:$0x3F9B] =	sst lr;
	_ =	strace $0xD0000000  }
0x3: {  	_ = 	snop  }
0x4: {  	_ = 	snop  }
0x5: {  	_ = 	snop  }
0x6: {  	_ = 	snop  }
0x7: {  	_ = 	snop  }
__scs_overlays_trampoline_lowered:
0x8: {  	[smem:$0x3FAA] =	sst s0  }
0x9: {  	[smem:$0x3FAB] =	sst s1  }
0xa: {  	[smem:$0x3FAC] =	sst s2  }
0xb: {  	[smem:$0x3FAD] =	sst s3  }
0xc: {  	[smem:$0x3FAE] =	sst s4  }
0xd: {  	[smem:$0x3FAF] =	sst s5  }
0xe: {  	[smem:$0x3FB0] =	sst s6  }
0xf: {  	[smem:$0x3FB1] =	sst s7  }
0x10: {  	[smem:$0x3FB2] =	sst s8  }
0x11: {  	[smem:$0x3FB3] =	sst s9;
	s0 =	simm.s32 @!p0 $0x0  }
0x12: {  	s1 =	sld [smem:$0x3F99];
	s0 =	simm.s32 @p0 $0x1  }
0x13: {  	[smem:$0x3FB4] =	sst s0;
	s0 =	simm.s32 @!p1 $0x0  }
0x14: {  	s2 =	sld [smem:$0x3F98];
	s0 =	simm.s32 @p1 $0x1  }
0x15: {  	[smem:$0x3FB5] =	sst s0;
	s0 =	simm.s32 @!p2 $0x0  }
0x16: {  	s3 =	sld [smem:$0x3FDB];
	s0 =	simm.s32 @p2 $0x1  }
0x17: {  	s4 =	simm.s32 $0x1BF5;
	[smem:$0x3FB7] =	sst s0  }
0x18: {  	s0 =	sld [smem:$0x3F9A];
	_ =	swait.ge [sflag:s4], $0x0  }
0x19: {  	s7 =	sld [smem:$0x3F9B]  }
0x1a: {  	s8 =	sadd.s32 $0xFFFFE003, lr  }
0x1b: {  	s9 =	sadd.s32 $0xFFFFFEF7, lr;
	s5 =	simm.s32 $0xFFFFFFFF;
	p2 =	slt.u32 s8, $0xFFFFF086  }
0x1c: {  	p1 =	slt.u32 s9, $0xF7A;
	s5 =	simm.s32 @!p2 $0x0  }
0x1d: {  	s5 =	simm.s32 @p1 $0x1;
	p0 =	seq.s32 s7, s2  }
0x1e: {  	s7 =	smul.u32 @!p0 $0xF7A, s2;
	p2 =	seq.s32 @!p0 s5, $0x0  }
0x1f: {  	s9 =	smul.u32 $0xF7A, s1;
	s8 =	simm.s32 @!p0 $0x1BF5;
	p2 =	por !p2, p0  }
0x20: {  	[sflag:s8] =	ssyncset.s32 @!p0 $0xFFFFF086;
	s6 =	sadd.s32 @!p0 s3, s7;
	s7 =	simm.s32 @!p0 $0x108  }
0x21: {  	s3 =	sadd.s32 s3, s9;
	s6 =	sadd.s32 @!p0 $0x88, s6;
	s7 =	simm.s32 @p2 $0x1082  }
0x22: {  	[simem:s7], [sflag:s8] =	dma.local @!p0 [hbm:s6], $0xF7A  }
0x23: {  	s9 =	sor.u32 $0xD0000000, s2;
	s6 =	simm.s32 $0x108;
	_ =	swait.ge @!p0 [sflag:s8], $0x0  }
0x24: {  	s3 =	sadd.s32 $0x88, s3;
	s6 =	simm.s32 @!p1 $0x1082;
	[sflag:s4] =	ssyncset.s32 $0xFFFFF086  }
0x25: {  	[simem:s6], [sflag:s4] =	dma.local [hbm:s3], $0xF7A  }
0x26: {  	[smem:$0x3F9B] =	sst s1;
	(tag) =	ssettag s2;
	_ =	strace s9  }
0x27: {  	s1 =	sld [smem:$0x3FAB]  }
0x28: {  	s2 =	sld [smem:$0x3FAC]  }
0x29: {  	s4 =	sld [smem:$0x3FAE]  }
0x2a: {  	p0 =	seq.s32 s5, $0x0;
	s5 =	sld [smem:$0x3FAF]  }
0x2b: {  	s6 =	sld [smem:$0x3FB0]  }
0x2c: {  	s7 =	sld [smem:$0x3FB1]  }
0x2d: {  	s3 =	simm.s32 $0x108;
	s8 =	sld [smem:$0x3FB2]  }
0x2e: {  	s3 =	simm.s32 @!p0 $0x1082;
	s9 =	sld [smem:$0x3FB3]  }
0x2f: {  	lr =	sadd.s32 s0, s3;
	s0 =	sld [smem:$0x3FAA]  }
0x30: {  	s3 =	sld [smem:$0x3FAD]  }
0x31: {  	[smem:$0x3FB6] =	sst s10  }
0x32: {  	s10 =	sld [smem:$0x3FB4];
	_ =	sdelay $0x3  }
0x33: {  	p0 =	seq.s32 s10, $0x1;
	s10 =	sld [smem:$0x3FB6];
	_ =	sdelay $0x3  }
0x34: {  	[smem:$0x3FB6] =	sst s10  }
0x35: {  	s10 =	sld [smem:$0x3FB5];
	_ =	sdelay $0x3  }
0x36: {  	p1 =	seq.s32 s10, $0x1;
	s10 =	sld [smem:$0x3FB6];
	_ =	sdelay $0x3  }
0x37: {  	[smem:$0x3FB6] =	sst s10  }
0x38: {  	s10 =	sld [smem:$0x3FB7]  }
0x39: {  	_ = 	snop;
	(pc) =	sbr.ind lr, $3  }
0x3a: {  	_ = 	snop  }
0x3b: {  	_ = 	snop  }
0x3c: {  	p2 =	seq.s32 s10, $0x1;
	s10 =	sld [smem:$0x3FB6]  }
0x3d: {  	_ =	shalt  }
0x3e: {  	_ =	shalt  }
0x3f: {  	_ =	shalt  }
0x40: {  	_ =	shalt  }
0x41: {  	_ =	shalt  }
0x42: {  	_ =	shalt  }
0x43: {  	_ =	shalt  }
0x44: {  	_ =	shalt  }
0x45: {  	_ =	shalt  }
0x46: {  	_ =	shalt  }
0x47: {  	_ =	shalt  }
0x48: {  	_ =	shalt  }
0x49: {  	_ =	shalt  }
0x4a: {  	_ =	shalt  }
0x4b: {  	_ =	shalt  }
0x4c: {  	_ =	shalt  }
0x4d: {  	_ =	shalt  }
0x4e: {  	_ =	shalt  }
0x4f: {  	_ =	shalt  }
0x50: {  	_ =	shalt  }
0x51: {  	_ =	shalt  }
0x52: {  	_ =	shalt  }
0x53: {  	_ =	shalt  }
0x54: {  	_ =	shalt  }
0x55: {  	_ =	shalt  }
0x56: {  	_ =	shalt  }
0x57: {  	_ =	shalt  }
0x58: {  	_ =	shalt  }
0x59: {  	_ =	shalt  }
0x5a: {  	_ =	shalt  }
0x5b: {  	_ =	shalt  }
0x5c: {  	_ =	shalt  }
0x5d: {  	_ =	shalt  }
0x5e: {  	_ =	shalt  }
0x5f: {  	_ =	shalt  }
0x60: {  	_ =	shalt  }
0x61: {  	_ =	shalt  }
0x62: {  	_ =	shalt  }
0x63: {  	_ =	shalt  }
0x64: {  	_ =	shalt  }
0x65: {  	_ =	shalt  }
0x66: {  	_ =	shalt  }
0x67: {  	_ =	shalt  }
0x68: {  	_ =	shalt  }
0x69: {  	_ =	shalt  }
0x6a: {  	_ =	shalt  }
0x6b: {  	_ =	shalt  }
0x6c: {  	_ =	shalt  }
0x6d: {  	_ =	shalt  }
0x6e: {  	_ =	shalt  }
0x6f: {  	_ =	shalt  }
0x70: {  	_ =	shalt  }
0x71: {  	_ =	shalt  }
0x72: {  	_ =	shalt  }
0x73: {  	_ =	shalt  }
0x74: {  	_ =	shalt  }
0x75: {  	_ =	shalt  }
0x76: {  	_ =	shalt  }
0x77: {  	_ =	shalt  }
0x78: {  	_ =	shalt  }
0x79: {  	_ =	shalt  }
0x7a: {  	_ =	shalt  }
0x7b: {  	_ =	shalt  }
0x7c: {  	_ =	shalt  }
0x7d: {  	_ =	shalt  }
0x7e: {  	_ =	shalt  }
0x7f: {  	_ =	shalt  }
0x80: {  	_ =	shalt  }
0x81: {  	_ =	shalt  }
0x82: {  	_ =	shalt  }
0x83: {  	_ =	shalt  }
0x84: {  	_ =	shalt  }
0x85: {  	_ =	shalt  }
0x86: {  	_ =	shalt  }
0x87: {  	_ =	shalt  }
.Lfunc_end0:
.L_simem_size_0:
called_computation_lowered:
.L_overlay_start_0:
0x88: {  	s2 =	sld [smem:$0x3FD9]  }
0x89: {  	s3 =	sld [smem:$0x3FFE];
	_ =	sdelay $0x1  }
0x8a: {  	s1 =	srdreg.scid  }
0x8b: {  	s0 =	sand.u32 $0x1, s1  }
0x8c: {  	s17 =	sshll.u32 s0, $0xA;
	s2 =	sadd.s32 s3, s2  }
0x8d: {  	s2 =	sadd.s32 s2, s17  }
0x8e: {  	[smem:$0x3FC2] =	sst s2  }
0x8f: {  	_ = 	snop  }
0x90: {  	s2 =	sld [smem:$0x3FC9];
	(tm) =	ssettm $0x1  }
0x91: {  	s18 =	sld [smem:$0x3FFB];
	_ =	sdelay $0x3  }
0x92: {  	_ =	strace s18  }
0x93: {  	s3 =	sld [smem:$0x3FFC];
	_ =	sdelay $0x3  }
0x94: {  	_ =	strace s3  }
0x95: {  	s3 =	sld [smem:$0x3FFD];
	_ =	sdelay $0x3  }
0x96: {  	_ =	strace s3  }
0x97: {  	_ =	strace $0x8FFFFFFF  }
0x98: {  	s19 =	sld [smem:$0x3FDB];
	_ =	sdelay $0x1  }
0x99: {  	s4 =	simm.s32 $_scs_section_size  }
0x9a: {  	s5 =	simm.s32 $_size__tile_overlayer_lowered;
	s6 =	simm.s32 $_tile_overlayer_lowered  }
0x9b: {  	s22 =	simm.s32 $0x1BFF;
	s21 =	sshll.u32 s6, $0x1;
	s3 =	sadd.s32 s4, s19  }
0x9c: {  	s7 =	simm.s32 $0x0;
	s20 =	sshll.u32 s5, $0x1;
	s5 =	sadd.s32 s21, s3  }
0x9d: {  	[timem:s7], [sflag:s22] =	dma.local [hbm:s5], s20  }
0x9e: {  	_ =	swait.ge [sflag:s22], s20  }
0x9f: {  	s4 =	ssub.s32 $0x0, s20;
	[sflag:s22] =	ssyncset.done $0x0  }
0xa0: {  	[sflag:s22] =	ssyncadd.s32 s4;
	_ =	sdelay $0x1  }
0xa1: {  	s23 =	simm.s32 $0x1B8B  }
0xa2: {  	_ =	swait.ge [sflag:s23], $0x1  }
0xa3: {  	[sflag:s23] =	ssyncset.done $0x0  }
0xa4: {  	s25 =	simm.s32 $0x1B8E;
	s24 =	sld [smem:$0x3FFE];
	[sflag:s23] =	ssyncadd.s32 $0xFFFFFFFF  }
0xa5: {  	s26 =	simm.s32 $execute0_lowered;
	[smem:$0x3FD2] =	sst s25  }
0xa6: {  	s5 =	sshll.u32 s26, $0x1;
	_ =	strace $0x80000046;
	[dreg:$0x1] =	wrdreg $0xFFFFFFFF  }
0xa7: {  	s28 =	simm.s32 $_size_execute0_lowered;
	s3 =	sadd.s32 s3, s5;
	[dreg:$0x0] =	wrdreg $0x0  }
0xa8: {  	s5 =	sshll.u32 s28, $0x1;
	[dreg:$0x2] =	wrdreg s3  }
0xa9: {  	[dreg:$0x3] =	wrdreg s5  }
0xaa: {  	[dreg:$0x4] =	wrdreg $0xC0  }
0xab: {  	_ =	task [dreg:s7], $0x5FFFF  }
0xac: {  	[dreg:$0x1] =	wrdreg $0xFFFFFFFF  }
0xad: {  	[dreg:$0x0] =	wrdreg $0x60  }
0xae: {  	[dreg:$0x2] =	wrdreg s2  }
0xaf: {  	[dreg:$0x3] =	wrdreg s24  }
0xb0: {  	[dreg:$0x4] =	wrdreg $0xBF800  }
0xb1: {  	[dreg:$0x5] =	wrdreg $0x9  }
0xb2: {  	_ =	task.clear_ibuf [dreg:s7], $0x6FFFF;
	_ =	strace $0x90000046  }
0xb3: {  	s29 =	simm.s32 $0x9;
	_ =	strace $0x80000048  }
0xb4: {  	_ =	swait.ge [sflag:s29], $0x1  }
0xb5: {  	[sflag:s29] =	ssyncadd.s32 $0xFFFFFFFF  }
0xb6: {  	_ =	strace $0x90000048  }
0xb7: {  	_ =	sfence  }
0xb8: {  	s30 =	sld [smem:$0x0];
	_ =	sdelay $0x2  }
0xb9: {  	s31 =	sshll.u32 s1, $0xD;
	s1 =	sshrl.u32 s1, $0x2  }
0xba: {  	s3 =	sand.u32 $0x4000, s31;
	s1 =	sadd.s32 s1, s30  }
0xbb: {  	s0 =	sor.u32 s3, s0;
	s1 =	sshll.u32 s1, $0x11  }
0xbc: {  	s0 =	sor.u32 s1, s0  }
0xbd: {  	s0 =	sadd.s32 $0x8F2B, s0  }
0xbe: {  	[sflag:s0] =	ssyncadd.remote.s32 $0x1  }
0xbf: {  	_ =	sfence.sel $0xFFFF  }
0xc0: {  	[dreg:$0x0] =	wrdreg $0xFFFFFFFF;
	(pc) =	sbr.abs _section_cstart, $3  }
0xc1: {  	[dreg:$0x1] =	wrdreg $0xFFFFFFFF  }
0xc2: {  	_ =	task.clear_ibuf [dreg:s7], $0x2FFFF;
	_ =	strace $0x9FFFFFFF  }
0xc3: {  	(tm) =	ssettm $0x7FFFFFFF  }
tec
execute0_lowered:
.L_overlay_start_1:
0x0: {  	(tag) =	ssettag $0x1  }
0x1: {  	s2 =	rddreg [dreg:$0x0]  }
0x2: {  	s6 =	rddreg [dreg:$0x1]  }
0x3: {  	s0 =	srdreg.scid;
	s3 =	rddreg [dreg:$0x2];
	s4 =	simm.s32 $0x0  }
0x4: {  	s15 =	simm.s32 $0x2;
	s5 =	sand.u32 $0x1, s0;
	s0 =	stileid.u32  }
0x5: {  	s16 =	simm.s32 $0x60;
	s17 =	simm.s32 $0x5F80;
	s9 =	smul.u32 $0x14000, s0  }
0x6: {  	s18 =	simm.s32 $0x8F80;
	s1 =	sshll.u32 s5, $0x4;
	s10 =	smul.u32 $0x140000, s5  }
0x7: {  	s19 =	simm.s32 $0x0;
	s28 =	smul.u32 $0x50000, s0;
	s1 =	sor.u32 s0, s1  }
0x8: {  	[smem:$0x7FF] =	sst s4;
	s5 =	ssub.s32 $0x2, s5;
	s7 =	smul.u32 $0x4EC, s1  }
0x9: {  	s30 =	sshrl.u32 s5, $0x1;
	s8 =	smul.u32 $0x700, s1;
	s1 =	rddreg [dreg:$0x3]  }
0xa: {  	_ =	strace $0x80000047;
	s25 =	sshrl.u32 s9, $0x3;
	s26 =	sadd.s32 s9, s10  }
0xb: {  	s13 =	ssub.s32 s5, s30;
	s31 =	sshrl.u32 s28, $0x2;
	s5 =	sshll.u32 s0, $0x6  }
0xc: {  	s14 =	sadd.s32 s31, s3;
	s12 =	sadd.s32 s8, s6;
	s8 =	sshrl.u32 s26, $0x3  }
0xd: {  	s11 =	sadd.s32 s7, s6;
	s7 =	sadd.s32 s25, s6;
	s29 =	sadd.s32 s8, s6  }
0xe: {  	s6 =	sadd.s32 $0x19800, s7;
	s7 =	sor.u32 $0x1C01, s5;
	s8 =	sadd.s32 $0x1A00, s11  }
0xf: {  	s9 =	sadd.s32 $0xB800, s12;
	s11 =	smax.u32 s13, $0x1;
	s12 =	sshrl.u32 s14, $0x3  }
0x10: {  	s13 =	simm.s32 $0x3;
	s14 =	simm.s32 $0x1;
	s10 =	sadd.s32 $0x41800, s29  }
.LBB2_1:
0x11: {  	[spmem:s12], [sflag:s7] =	dma.local [hbm:s6], $0x2800  }
0x12: {  	[tilespmem:s4], [sflag:$0x2] =	stream.linear.gather [hbm4b:s8+s4], $0x2760, $0x38;
	[tilespmem:$0x1FF80] =	vst v63  }
0x13: {  	s26 =	simm.s32 $0x2780  }
0x14: {  	[tilespmem:s26], [sflag:$0x3] =	stream.linear.gather [hbm4b:s9+s4], $0x3480, $0x38;
	[tilespmem:$0x1FF80] =	vst v63  }
0x15: {  	_ =	swait.ge [sflag:s13], $0x3480  }
0x16: {  	[sflag:s13] =	ssyncset.done $0x0  }
0x17: {  	[sflag:s13] =	ssyncadd.s32 $0xFFFFCB80  }
0x18: {  	_ =	swait.ge [sflag:s14], $0x2800  }
0x19: {  	[sflag:s14] =	ssyncset.done $0x0  }
0x1a: {  	[sflag:s14] =	ssyncadd.s32 $0xFFFFD800  }
0x1b: {  	_ =	swait.ge [sflag:s15], $0x2760  }
0x1c: {  	[sflag:s15] =	ssyncset.done $0x0  }
0x1d: {  	s20 =	sand.u32 $0x1, s4;
	[sflag:s15] =	ssyncadd.s32 $0xFFFFD8A0  }
0x1e: {  	p0 =	seq.s32 s20, $0x1;
	[bflag:$0x0] =	sbarrier.arrive $0xFFFF  }
0x1f: {  	[tilespmem:s17], [sflag:$0x1] =	stream.indirect.gather [hbm4b:s2+s16], $0x80, s4, s16, $0xb8;
	[tilespmem:$0x1FF80] =	vst v63  }
0x20: {  	s21 =	simm.s32 @p0 $0x2;
	p0 =	por p0, p0  }
0x21: {  	[tilespmem:s18], [sflag:$0x2] =	stream.indirect.gather [hbm4b:s2+s16], $0x80, s16, s16, $0xb8;
	[tilespmem:$0x1FF80] =	vst v63  }
0x22: {  	s23 =	simm.s32 $0xC0;
	s24 =	simm.s32 $0x2;
	_ =	swait.ge @p0 [sflag:s21], $0x3000  }
0x23: {  	s20 =	simm.s32 $0x1;
	s22 =	simm.s32 @p0 $0x3;
	[sflag:s21] =	ssyncset.done @p0 $0x0  }
0x24: {  	s25 =	simm.s32 @p0 $0x8F80;
	[sflag:s21] =	ssyncadd.s32 @p0 $0xFFFFD000;
	s21 =	simm.s32 @p0 $0x60  }
0x25: {  	[spmem:s3] =	stream.indirect.scatter.add.f32 @p0 [tilespmem:s25], [sflag:$0x3], $0x80, s26, s21, $0xb8;
	[tilespmem:$0x1FF80] =	vst v63  }
0x26: {  	p1 =	por @p0 $0x0, $0x0;
	s28 =	simm.s32 @!p0 $0x1;
	_ =	swait.ge @p0 [sflag:s22], $0x3000  }
0x27: {  	s29 =	simm.s32 @!p0 $0x5F80;
	p1 =	por p1, !p0;
	[sflag:s22] =	ssyncset.done @p0 $0x0  }
0x28: {  	s25 =	simm.s32 @!p1 $0x8F80;
	[sflag:s22] =	ssyncadd.s32 @p0 $0xFFFFD000;
	s22 =	simm.s32 @!p1 $0x60  }
0x29: {  	[tilespmem:s25], [sflag:$0x2] =	stream.indirect.gather @!p1 [hbm4b:s2+s22], $0x80, s23, s22, $0xb8;
	[tilespmem:$0x1FF80] =	vst v63  }
0x2a: {  	s21 =	simm.s32 $0x120;
	s22 =	simm.s32 $0x2800;
	_ =	swait.ge @!p0 [sflag:s28], $0x3000  }
0x2b: {  	s25 =	simm.s32 @!p0 $0x3;
	p1 =	por @!p0 $0x0, $0x0;
	[sflag:s28] =	ssyncset.done @!p0 $0x0  }
0x2c: {  	p2 =	por p1, p0;
	[sflag:s28] =	ssyncadd.s32 @!p0 $0xFFFFD000;
	s28 =	simm.s32 @!p0 $0x60  }
0x2d: {  	[spmem:s3] =	stream.indirect.scatter.add.f32 @!p0 [tilespmem:s29], [sflag:$0x3], $0x80, s26, s28, $0xb8;
	[tilespmem:$0x1FF80] =	vst v63  }
0x2e: {  	s28 =	sand.u32 $0x1, s20;
	s26 =	simm.s32 @!p2 $0x5F80;
	_ =	swait.ge @!p0 [sflag:s25], $0x3000  }
0x2f: {  	p3 =	seq.s32 s28, $0x1;
	s28 =	simm.s32 @!p2 $0x60;
	[sflag:s25] =	ssyncset.done @!p0 $0x0  }
.LBB2_2:
0x30: {  	s29 =	simm.s32 @p3 $0x2  }
0x31: {  	[sflag:s25] =	ssyncadd.s32 @!p0 $0xFFFFD000;
	s30 =	smov.u32 s20;
	s20 =	smov.u32 s24  }
0x32: {  	s24 =	sadd.s32 $0x1, s24;
	s31 =	smov.u32 s22;
	p0 =	por p3, p3  }
0x33: {  	[tilespmem:s26], [sflag:$0x1] =	stream.indirect.gather @!p2 [hbm4b:s2+s28], $0x80, s23, s28, $0xb8;
	[tilespmem:$0x1FF80] =	vst v63  }
0x34: {  	p1 =	sne.s32 s24, $0x69;
	s23 =	smov.u32 s21;
	_ =	swait.ge @p0 [sflag:s29], $0x3000  }
0x35: {  	s25 =	simm.s32 @p0 $0x3;
	s21 =	sadd.s32 $0x60, s21;
	[sflag:s29] =	ssyncset.done @p0 $0x0  }
0x36: {  	s26 =	simm.s32 @p0 $0x60;
	s28 =	simm.s32 @p0 $0x8F80;
	[sflag:s29] =	ssyncadd.s32 @p0 $0xFFFFD000  }
0x37: {  	[spmem:s3] =	stream.indirect.scatter.add.f32 @p0 [tilespmem:s28], [sflag:$0x3], $0x80, s22, s26, $0xb8;
	[tilespmem:$0x1FF80] =	vst v63  }
0x38: {  	p2 =	sgt.u32 @p0 s30, $0x66;
	s22 =	sadd.s32 $0x80, s22;
	_ =	swait.ge @p0 [sflag:s25], $0x3000  }
0x39: {  	p2 =	por p2, !p0;
	s26 =	simm.s32 @!p0 $0x1;
	[sflag:s25] =	ssyncset.done @p0 $0x0  }
0x3a: {  	s28 =	simm.s32 @!p2 $0x8F80;
	[sflag:s25] =	ssyncadd.s32 @p0 $0xFFFFD000;
	s25 =	simm.s32 @!p2 $0x60  }
0x3b: {  	[tilespmem:s28], [sflag:$0x2] =	stream.indirect.gather @!p2 [hbm4b:s2+s25], $0x80, s23, s25, $0xb8;
	[tilespmem:$0x1FF80] =	vst v63  }
0x3c: {  	s28 =	simm.s32 @!p0 $0x5F80;
	s25 =	simm.s32 @!p0 $0x3;
	_ =	swait.ge @!p0 [sflag:s26], $0x3000  }
.Ltmp0:
0x3d: {  	p2 =	sgt.u32 @!p0 s30, $0x66;
	[sflag:s26] =	ssyncset.done @!p0 $0x0;
	(pc) =	sbr.rel @p1 .LBB2_2-.Ltmp0, $4  }
0x3e: {  	p2 =	por p2, p0;
	[sflag:s26] =	ssyncadd.s32 @!p0 $0xFFFFD000;
	s26 =	simm.s32 @!p0 $0x60  }
0x3f: {  	[spmem:s3] =	stream.indirect.scatter.add.f32 @!p0 [tilespmem:s28], [sflag:$0x3], $0x80, s31, s26, $0xb8;
	[tilespmem:$0x1FF80] =	vst v63  }
0x40: {  	s28 =	sand.u32 $0x1, s20;
	s26 =	simm.s32 @!p2 $0x5F80;
	_ =	swait.ge @!p0 [sflag:s25], $0x3000  }
0x41: {  	p3 =	seq.s32 s28, $0x1;
	s28 =	simm.s32 @!p2 $0x60;
	[sflag:s25] =	ssyncset.done @!p0 $0x0  }
0x42: {  	s24 =	simm.s32 @p3 $0x2;
	[sflag:s25] =	ssyncadd.s32 @!p0 $0xFFFFD000;
	p0 =	por p3, p3  }
0x43: {  	[tilespmem:s26], [sflag:$0x1] =	stream.indirect.gather @!p2 [hbm4b:s2+s28], $0x80, s23, s28, $0xb8;
	[tilespmem:$0x1FF80] =	vst v63  }
0x44: {  	_ =	swait.ge @p0 [sflag:s24], $0x3000  }
0x45: {  	s23 =	simm.s32 @p0 $0x3;
	[sflag:s24] =	ssyncset.done @p0 $0x0  }
0x46: {  	s25 =	simm.s32 @p0 $0x8F80;
	[sflag:s24] =	ssyncadd.s32 @p0 $0xFFFFD000;
	s24 =	simm.s32 @p0 $0x60  }
0x47: {  	[spmem:s3] =	stream.indirect.scatter.add.f32 @p0 [tilespmem:s25], [sflag:$0x3], $0x80, s22, s24, $0xb8;
	[tilespmem:$0x1FF80] =	vst v63  }
0x48: {  	p1 =	sgt.u32 @p0 s20, $0x66;
	_ =	swait.ge @p0 [sflag:s23], $0x3000  }
0x49: {  	p1 =	por p1, !p0;
	s24 =	simm.s32 @!p0 $0x1;
	[sflag:s23] =	ssyncset.done @p0 $0x0  }
0x4a: {  	s25 =	simm.s32 @!p1 $0x8F80;
	[sflag:s23] =	ssyncadd.s32 @p0 $0xFFFFD000;
	s23 =	simm.s32 @!p1 $0x60  }
0x4b: {  	[tilespmem:s25], [sflag:$0x2] =	stream.indirect.gather @!p1 [hbm4b:s2+s23], $0x80, s21, s23, $0xb8;
	[tilespmem:$0x1FF80] =	vst v63  }
0x4c: {  	_ =	swait.ge @!p0 [sflag:s24], $0x3000  }
0x4d: {  	s23 =	simm.s32 @!p0 $0x5F80;
	s25 =	simm.s32 @!p0 $0x3;
	[sflag:s24] =	ssyncset.done @!p0 $0x0  }
0x4e: {  	p1 =	sgt.u32 @!p0 s20, $0x66;
	[sflag:s24] =	ssyncadd.s32 @!p0 $0xFFFFD000;
	s24 =	simm.s32 @!p0 $0x60  }
0x4f: {  	[spmem:s3] =	stream.indirect.scatter.add.f32 @!p0 [tilespmem:s23], [sflag:$0x3], $0x80, s22, s24, $0xb8;
	[tilespmem:$0x1FF80] =	vst v63  }
0x50: {  	p1 =	por p1, p0;
	_ =	swait.ge @!p0 [sflag:s25], $0x3000  }
0x51: {  	s19 =	sadd.s32 $0x1, s19;
	s20 =	simm.s32 @!p1 $0x5F80;
	[sflag:s25] =	ssyncset.done @!p0 $0x0  }
0x52: {  	s22 =	simm.s32 @!p1 $0x60;
	[sflag:s25] =	ssyncadd.s32 @!p0 $0xFFFFD000;
	p0 =	sne.s32 s19, s11  }
0x53: {  	[tilespmem:s20], [sflag:$0x1] =	stream.indirect.gather @!p1 [hbm4b:s2+s22], $0x80, s21, s22, $0xb8;
	[tilespmem:$0x1FF80] =	vst v63  }
.Ltmp1:
0x54: {  	s31 =	sor.u32 $0x1C03, s5;
	[bflag:$0x0] =	sbarrier.arrive $0xFFFF;
	(pc) =	sbr.rel @p0 .LBB2_1-.Ltmp1, $4  }
0x55: {  	[hbm:s10], [sflag:s31] =	dma.local [spmem:s12], $0x2800  }
0x56: {  	_ =	swait.ge [sflag:s13], $0x2800  }
0x57: {  	[sflag:s13] =	ssyncset.done $0x0  }
0x58: {  	[sflag:s13] =	ssyncadd.s32 $0xFFFFD800  }
0x59: {  	_ =	sfence.sel $0x180000  }
0x5a: {  	[bflag:$0x0] =	sbarrier.arrive $0xFFFF  }
0x5b: {  	p0 =	sne.s32 s0, $0x0;
	_ =	strace $0x90000047  }
0x5c: {  	s0 =	sadd.s32 @!p0 $0x100000, s1;
	[bflag:$0x2] =	sbarrier.arrive $0xFFFF  }
0x5d: {  	[sflag:s0] =	ssyncadd.tile.s32 @!p0 $0x1;
	_ =	shalt  }
.Lfunc_end2:
_tile_overlayer_lowered:
.L_overlay_start_2:
0x5e: {  	(tag) =	ssettag $0x2  }
0x5f: {  	s0 =	rddreg [dreg:$0x0];
	s2 =	stileid.u32  }
0x60: {  	s1 =	rddreg [dreg:$0x1];
	p0 =	sne.s32 s2, $0x0  }
0x61: {  	s3 =	rddreg [dreg:$0x2];
	[bflag:$0x3] =	sbarrier.arrive $0xFFFF;
	s2 =	simm.s32 @!p0 $0x1C03  }
0x62: {  	[timem:s3], [sflag:s2] =	dma.local @!p0 [hbm:s0], s1  }
0x63: {  	s0 =	simm.s32 @!p0 $0x3  }
0x64: {  	_ =	swait.ge @!p0 [sflag:s0], s1  }
0x65: {  	s1 =	ssub.s32 @!p0 $0x0, s1;
	[sflag:s0] =	ssyncset.done @!p0 $0x0  }
0x66: {  	[sflag:s0] =	ssyncadd.s32 @!p0 s1  }
0x67: {  	[bflag:$0x3] =	sbarrier.arrive $0xFFFF  }
0x68: {  	_ =	shalt  }

// kernel: kernel.9.cloned.1.call-start
scs
__scs_entry_jumppad:
0x0: {  	(pc) =	sbr.rel $0x88, $3  }
0x1: {  	(tag) =	ssettag $0x0;
	lr =	simm.s32 $0x1  }
0x2: {  	[smem:$0x3F9B] =	sst lr;
	_ =	strace $0xD0000000  }
0x3: {  	_ = 	snop  }
0x4: {  	_ = 	snop  }
0x5: {  	_ = 	snop  }
0x6: {  	_ = 	snop  }
0x7: {  	_ = 	snop  }
__scs_overlays_trampoline_lowered:
0x8: {  	[smem:$0x3FAA] =	sst s0  }
0x9: {  	[smem:$0x3FAB] =	sst s1  }
0xa: {  	[smem:$0x3FAC] =	sst s2  }
0xb: {  	[smem:$0x3FAD] =	sst s3  }
0xc: {  	[smem:$0x3FAE] =	sst s4  }
0xd: {  	[smem:$0x3FAF] =	sst s5  }
0xe: {  	[smem:$0x3FB0] =	sst s6  }
0xf: {  	[smem:$0x3FB1] =	sst s7  }
0x10: {  	[smem:$0x3FB2] =	sst s8  }
0x11: {  	[smem:$0x3FB3] =	sst s9;
	s0 =	simm.s32 @!p0 $0x0  }
0x12: {  	s1 =	sld [smem:$0x3F99];
	s0 =	simm.s32 @p0 $0x1  }
0x13: {  	[smem:$0x3FB4] =	sst s0;
	s0 =	simm.s32 @!p1 $0x0  }
0x14: {  	s2 =	sld [smem:$0x3F98];
	s0 =	simm.s32 @p1 $0x1  }
0x15: {  	[smem:$0x3FB5] =	sst s0;
	s0 =	simm.s32 @!p2 $0x0  }
0x16: {  	s3 =	sld [smem:$0x3FDB];
	s0 =	simm.s32 @p2 $0x1  }
0x17: {  	s4 =	simm.s32 $0x1BF5;
	[smem:$0x3FB7] =	sst s0  }
0x18: {  	s0 =	sld [smem:$0x3F9A];
	_ =	swait.ge [sflag:s4], $0x0  }
0x19: {  	s7 =	sld [smem:$0x3F9B]  }
0x1a: {  	s8 =	sadd.s32 $0xFFFFE003, lr  }
0x1b: {  	s9 =	sadd.s32 $0xFFFFFEF7, lr;
	s5 =	simm.s32 $0xFFFFFFFF;
	p2 =	slt.u32 s8, $0xFFFFF086  }
0x1c: {  	p1 =	slt.u32 s9, $0xF7A;
	s5 =	simm.s32 @!p2 $0x0  }
0x1d: {  	s5 =	simm.s32 @p1 $0x1;
	p0 =	seq.s32 s7, s2  }
0x1e: {  	s7 =	smul.u32 @!p0 $0xF7A, s2;
	p2 =	seq.s32 @!p0 s5, $0x0  }
0x1f: {  	s9 =	smul.u32 $0xF7A, s1;
	s8 =	simm.s32 @!p0 $0x1BF5;
	p2 =	por !p2, p0  }
0x20: {  	[sflag:s8] =	ssyncset.s32 @!p0 $0xFFFFF086;
	s6 =	sadd.s32 @!p0 s3, s7;
	s7 =	simm.s32 @!p0 $0x108  }
0x21: {  	s3 =	sadd.s32 s3, s9;
	s6 =	sadd.s32 @!p0 $0x88, s6;
	s7 =	simm.s32 @p2 $0x1082  }
0x22: {  	[simem:s7], [sflag:s8] =	dma.local @!p0 [hbm:s6], $0xF7A  }
0x23: {  	s9 =	sor.u32 $0xD0000000, s2;
	s6 =	simm.s32 $0x108;
	_ =	swait.ge @!p0 [sflag:s8], $0x0  }
0x24: {  	s3 =	sadd.s32 $0x88, s3;
	s6 =	simm.s32 @!p1 $0x1082;
	[sflag:s4] =	ssyncset.s32 $0xFFFFF086  }
0x25: {  	[simem:s6], [sflag:s4] =	dma.local [hbm:s3], $0xF7A  }
0x26: {  	[smem:$0x3F9B] =	sst s1;
	(tag) =	ssettag s2;
	_ =	strace s9  }
0x27: {  	s1 =	sld [smem:$0x3FAB]  }
0x28: {  	s2 =	sld [smem:$0x3FAC]  }
0x29: {  	s4 =	sld [smem:$0x3FAE]  }
0x2a: {  	p0 =	seq.s32 s5, $0x0;
	s5 =	sld [smem:$0x3FAF]  }
0x2b: {  	s6 =	sld [smem:$0x3FB0]  }
0x2c: {  	s7 =	sld [smem:$0x3FB1]  }
0x2d: {  	s3 =	simm.s32 $0x108;
	s8 =	sld [smem:$0x3FB2]  }
0x2e: {  	s3 =	simm.s32 @!p0 $0x1082;
	s9 =	sld [smem:$0x3FB3]  }
0x2f: {  	lr =	sadd.s32 s0, s3;
	s0 =	sld [smem:$0x3FAA]  }
0x30: {  	s3 =	sld [smem:$0x3FAD]  }
0x31: {  	[smem:$0x3FB6] =	sst s10  }
0x32: {  	s10 =	sld [smem:$0x3FB4];
	_ =	sdelay $0x3  }
0x33: {  	p0 =	seq.s32 s10, $0x1;
	s10 =	sld [smem:$0x3FB6];
	_ =	sdelay $0x3  }
0x34: {  	[smem:$0x3FB6] =	sst s10  }
0x35: {  	s10 =	sld [smem:$0x3FB5];
	_ =	sdelay $0x3  }
0x36: {  	p1 =	seq.s32 s10, $0x1;
	s10 =	sld [smem:$0x3FB6];
	_ =	sdelay $0x3  }
0x37: {  	[smem:$0x3FB6] =	sst s10  }
0x38: {  	s10 =	sld [smem:$0x3FB7]  }
0x39: {  	_ = 	snop;
	(pc) =	sbr.ind lr, $3  }
0x3a: {  	_ = 	snop  }
0x3b: {  	_ = 	snop  }
0x3c: {  	p2 =	seq.s32 s10, $0x1;
	s10 =	sld [smem:$0x3FB6]  }
0x3d: {  	_ =	shalt  }
0x3e: {  	_ =	shalt  }
0x3f: {  	_ =	shalt  }
0x40: {  	_ =	shalt  }
0x41: {  	_ =	shalt  }
0x42: {  	_ =	shalt  }
0x43: {  	_ =	shalt  }
0x44: {  	_ =	shalt  }
0x45: {  	_ =	shalt  }
0x46: {  	_ =	shalt  }
0x47: {  	_ =	shalt  }
0x48: {  	_ =	shalt  }
0x49: {  	_ =	shalt  }
0x4a: {  	_ =	shalt  }
0x4b: {  	_ =	shalt  }
0x4c: {  	_ =	shalt  }
0x4d: {  	_ =	shalt  }
0x4e: {  	_ =	shalt  }
0x4f: {  	_ =	shalt  }
0x50: {  	_ =	shalt  }
0x51: {  	_ =	shalt  }
0x52: {  	_ =	shalt  }
0x53: {  	_ =	shalt  }
0x54: {  	_ =	shalt  }
0x55: {  	_ =	shalt  }
0x56: {  	_ =	shalt  }
0x57: {  	_ =	shalt  }
0x58: {  	_ =	shalt  }
0x59: {  	_ =	shalt  }
0x5a: {  	_ =	shalt  }
0x5b: {  	_ =	shalt  }
0x5c: {  	_ =	shalt  }
0x5d: {  	_ =	shalt  }
0x5e: {  	_ =	shalt  }
0x5f: {  	_ =	shalt  }
0x60: {  	_ =	shalt  }
0x61: {  	_ =	shalt  }
0x62: {  	_ =	shalt  }
0x63: {  	_ =	shalt  }
0x64: {  	_ =	shalt  }
0x65: {  	_ =	shalt  }
0x66: {  	_ =	shalt  }
0x67: {  	_ =	shalt  }
0x68: {  	_ =	shalt  }
0x69: {  	_ =	shalt  }
0x6a: {  	_ =	shalt  }
0x6b: {  	_ =	shalt  }
0x6c: {  	_ =	shalt  }
0x6d: {  	_ =	shalt  }
0x6e: {  	_ =	shalt  }
0x6f: {  	_ =	shalt  }
0x70: {  	_ =	shalt  }
0x71: {  	_ =	shalt  }
0x72: {  	_ =	shalt  }
0x73: {  	_ =	shalt  }
0x74: {  	_ =	shalt  }
0x75: {  	_ =	shalt  }
0x76: {  	_ =	shalt  }
0x77: {  	_ =	shalt  }
0x78: {  	_ =	shalt  }
0x79: {  	_ =	shalt  }
0x7a: {  	_ =	shalt  }
0x7b: {  	_ =	shalt  }
0x7c: {  	_ =	shalt  }
0x7d: {  	_ =	shalt  }
0x7e: {  	_ =	shalt  }
0x7f: {  	_ =	shalt  }
0x80: {  	_ =	shalt  }
0x81: {  	_ =	shalt  }
0x82: {  	_ =	shalt  }
0x83: {  	_ =	shalt  }
0x84: {  	_ =	shalt  }
0x85: {  	_ =	shalt  }
0x86: {  	_ =	shalt  }
0x87: {  	_ =	shalt  }
.Lfunc_end0:
.L_simem_size_0:
called_computation.1_lowered:
.L_overlay_start_0:
0x88: {  	s2 =	sld [smem:$0x3FD9]  }
0x89: {  	s3 =	sld [smem:$0x3FFE];
	_ =	sdelay $0x1  }
0x8a: {  	s1 =	srdreg.scid  }
0x8b: {  	s0 =	sand.u32 $0x1, s1  }
0x8c: {  	s17 =	sshll.u32 s0, $0xA;
	s2 =	sadd.s32 s3, s2  }
0x8d: {  	s2 =	sadd.s32 s2, s17  }
0x8e: {  	[smem:$0x3FC2] =	sst s2  }
0x8f: {  	_ = 	snop  }
0x90: {  	s2 =	sld [smem:$0x3FD0];
	(tm) =	ssettm $0x1  }
0x91: {  	s18 =	sld [smem:$0x3FFB];
	_ =	sdelay $0x3  }
0x92: {  	_ =	strace s18  }
0x93: {  	s3 =	sld [smem:$0x3FFC];
	_ =	sdelay $0x3  }
0x94: {  	_ =	strace s3  }
0x95: {  	s3 =	sld [smem:$0x3FFD];
	_ =	sdelay $0x3  }
0x96: {  	_ =	strace s3  }
0x97: {  	_ =	strace $0x8FFFFFFF  }
0x98: {  	s19 =	sld [smem:$0x3FDB];
	_ =	sdelay $0x1  }
0x99: {  	s4 =	simm.s32 $_scs_section_size  }
0x9a: {  	s5 =	simm.s32 $_size__tile_overlayer_lowered;
	s6 =	simm.s32 $_tile_overlayer_lowered  }
0x9b: {  	s22 =	simm.s32 $0x1BFF;
	s21 =	sshll.u32 s6, $0x1;
	s3 =	sadd.s32 s4, s19  }
0x9c: {  	s7 =	simm.s32 $0x0;
	s20 =	sshll.u32 s5, $0x1;
	s5 =	sadd.s32 s21, s3  }
0x9d: {  	[timem:s7], [sflag:s22] =	dma.local [hbm:s5], s20  }
0x9e: {  	_ =	swait.ge [sflag:s22], s20  }
0x9f: {  	s4 =	ssub.s32 $0x0, s20;
	[sflag:s22] =	ssyncset.done $0x0  }
0xa0: {  	[sflag:s22] =	ssyncadd.s32 s4;
	_ =	sdelay $0x1  }
0xa1: {  	s23 =	simm.s32 $0x1B8B  }
0xa2: {  	_ =	swait.ge [sflag:s23], $0x1  }
0xa3: {  	[sflag:s23] =	ssyncset.done $0x0  }
0xa4: {  	s25 =	simm.s32 $0x1B8E;
	s24 =	sld [smem:$0x3FFE];
	[sflag:s23] =	ssyncadd.s32 $0xFFFFFFFF  }
0xa5: {  	s26 =	simm.s32 $execute0_lowered;
	[smem:$0x3FD2] =	sst s25  }
0xa6: {  	s5 =	sshll.u32 s26, $0x1;
	_ =	strace $0x80000049;
	[dreg:$0x1] =	wrdreg $0xFFFFFFFF  }
0xa7: {  	s28 =	simm.s32 $_size_execute0_lowered;
	s3 =	sadd.s32 s3, s5;
	[dreg:$0x0] =	wrdreg $0x0  }
0xa8: {  	s5 =	sshll.u32 s28, $0x1;
	[dreg:$0x2] =	wrdreg s3  }
0xa9: {  	[dreg:$0x3] =	wrdreg s5  }
0xaa: {  	[dreg:$0x4] =	wrdreg $0xC0  }
0xab: {  	_ =	task [dreg:s7], $0x5FFFF  }
0xac: {  	[dreg:$0x1] =	wrdreg $0xFFFFFFFF  }
0xad: {  	[dreg:$0x0] =	wrdreg $0x60  }
0xae: {  	[dreg:$0x2] =	wrdreg s2  }
0xaf: {  	[dreg:$0x3] =	wrdreg s24  }
0xb0: {  	[dreg:$0x4] =	wrdreg $0xBF800  }
0xb1: {  	[dreg:$0x5] =	wrdreg $0x9  }
0xb2: {  	_ =	task.clear_ibuf [dreg:s7], $0x6FFFF;
	_ =	strace $0x90000049  }
0xb3: {  	s29 =	simm.s32 $0x9;
	_ =	strace $0x8000004B  }
0xb4: {  	_ =	swait.ge [sflag:s29], $0x1  }
0xb5: {  	[sflag:s29] =	ssyncadd.s32 $0xFFFFFFFF  }
0xb6: {  	_ =	strace $0x9000004B  }
0xb7: {  	_ =	sfence  }
0xb8: {  	s30 =	sld [smem:$0x0];
	_ =	sdelay $0x2  }
0xb9: {  	s31 =	sshll.u32 s1, $0xD;
	s1 =	sshrl.u32 s1, $0x2  }
0xba: {  	s3 =	sand.u32 $0x4000, s31;
	s1 =	sadd.s32 s1, s30  }
0xbb: {  	s0 =	sor.u32 s3, s0;
	s1 =	sshll.u32 s1, $0x11  }
0xbc: {  	s0 =	sor.u32 s1, s0  }
0xbd: {  	s0 =	sadd.s32 $0x8F2B, s0  }
0xbe: {  	[sflag:s0] =	ssyncadd.remote.s32 $0x1  }
0xbf: {  	_ =	sfence.sel $0xFFFF  }
0xc0: {  	[dreg:$0x0] =	wrdreg $0xFFFFFFFF;
	(pc) =	sbr.abs _section_cstart, $3  }
0xc1: {  	[dreg:$0x1] =	wrdreg $0xFFFFFFFF  }
0xc2: {  	_ =	task.clear_ibuf [dreg:s7], $0x2FFFF;
	_ =	strace $0x9FFFFFFF  }
0xc3: {  	(tm) =	ssettm $0x7FFFFFFF  }
tec
execute0_lowered:
.L_overlay_start_1:
0x0: {  	(tag) =	ssettag $0x1  }
0x1: {  	s2 =	rddreg [dreg:$0x0]  }
0x2: {  	s6 =	rddreg [dreg:$0x1]  }
0x3: {  	s0 =	srdreg.scid;
	s3 =	rddreg [dreg:$0x2];
	s4 =	simm.s32 $0x0  }
0x4: {  	s15 =	simm.s32 $0x2;
	s5 =	sand.u32 $0x1, s0;
	s0 =	stileid.u32  }
0x5: {  	s16 =	simm.s32 $0x60;
	s17 =	simm.s32 $0x5F80;
	s9 =	smul.u32 $0x14000, s0  }
0x6: {  	s18 =	simm.s32 $0x8F80;
	s1 =	sshll.u32 s5, $0x4;
	s10 =	smul.u32 $0x140000, s5  }
0x7: {  	s19 =	simm.s32 $0x0;
	s28 =	smul.u32 $0x50000, s0;
	s1 =	sor.u32 s0, s1  }
0x8: {  	[smem:$0x7FF] =	sst s4;
	s5 =	ssub.s32 $0x2, s5;
	s7 =	smul.u32 $0x4EC, s1  }
0x9: {  	s30 =	sshrl.u32 s5, $0x1;
	s8 =	smul.u32 $0x700, s1;
	s1 =	rddreg [dreg:$0x3]  }
0xa: {  	_ =	strace $0x8000004A;
	s25 =	sshrl.u32 s9, $0x3;
	s26 =	sadd.s32 s9, s10  }
0xb: {  	s13 =	ssub.s32 s5, s30;
	s31 =	sshrl.u32 s28, $0x2;
	s5 =	sshll.u32 s0, $0x6  }
0xc: {  	s14 =	sadd.s32 s31, s3;
	s12 =	sadd.s32 s8, s6;
	s8 =	sshrl.u32 s26, $0x3  }
0xd: {  	s11 =	sadd.s32 s7, s6;
	s7 =	sadd.s32 s25, s6;
	s29 =	sadd.s32 s8, s6  }
0xe: {  	s6 =	sadd.s32 $0x19800, s7;
	s7 =	sor.u32 $0x1C01, s5;
	s8 =	sadd.s32 $0x1A00, s11  }
0xf: {  	s9 =	sadd.s32 $0xB800, s12;
	s11 =	smax.u32 s13, $0x1;
	s12 =	sshrl.u32 s14, $0x3  }
0x10: {  	s13 =	simm.s32 $0x3;
	s14 =	simm.s32 $0x1;
	s10 =	sadd.s32 $0x41800, s29  }
.LBB2_1:
0x11: {  	[spmem:s12], [sflag:s7] =	dma.local [hbm:s6], $0x2800  }
0x12: {  	[tilespmem:s4], [sflag:$0x2] =	stream.linear.gather [hbm4b:s8+s4], $0x2760, $0x38;
	[tilespmem:$0x1FF80] =	vst v63  }
0x13: {  	s26 =	simm.s32 $0x2780  }
0x14: {  	[tilespmem:s26], [sflag:$0x3] =	stream.linear.gather [hbm4b:s9+s4], $0x3480, $0x38;
	[tilespmem:$0x1FF80] =	vst v63  }
0x15: {  	_ =	swait.ge [sflag:s13], $0x3480  }
0x16: {  	[sflag:s13] =	ssyncset.done $0x0  }
0x17: {  	[sflag:s13] =	ssyncadd.s32 $0xFFFFCB80  }
0x18: {  	_ =	swait.ge [sflag:s14], $0x2800  }
0x19: {  	[sflag:s14] =	ssyncset.done $0x0  }
0x1a: {  	[sflag:s14] =	ssyncadd.s32 $0xFFFFD800  }
0x1b: {  	_ =	swait.ge [sflag:s15], $0x2760  }
0x1c: {  	[sflag:s15] =	ssyncset.done $0x0  }
0x1d: {  	s20 =	sand.u32 $0x1, s4;
	[sflag:s15] =	ssyncadd.s32 $0xFFFFD8A0  }
0x1e: {  	p0 =	seq.s32 s20, $0x1;
	[bflag:$0x0] =	sbarrier.arrive $0xFFFF  }
0x1f: {  	[tilespmem:s17], [sflag:$0x1] =	stream.indirect.gather [hbm4b:s2+s16], $0x80, s4, s16, $0xb8;
	[tilespmem:$0x1FF80] =	vst v63  }
0x20: {  	s21 =	simm.s32 @p0 $0x2;
	p0 =	por p0, p0  }
0x21: {  	[tilespmem:s18], [sflag:$0x2] =	stream.indirect.gather [hbm4b:s2+s16], $0x80, s16, s16, $0xb8;
	[tilespmem:$0x1FF80] =	vst v63  }
0x22: {  	s23 =	simm.s32 $0xC0;
	s24 =	simm.s32 $0x2;
	_ =	swait.ge @p0 [sflag:s21], $0x3000  }
0x23: {  	s20 =	simm.s32 $0x1;
	s22 =	simm.s32 @p0 $0x3;
	[sflag:s21] =	ssyncset.done @p0 $0x0  }
0x24: {  	s25 =	simm.s32 @p0 $0x8F80;
	[sflag:s21] =	ssyncadd.s32 @p0 $0xFFFFD000;
	s21 =	simm.s32 @p0 $0x60  }
0x25: {  	[spmem:s3] =	stream.indirect.scatter.add.f32 @p0 [tilespmem:s25], [sflag:$0x3], $0x80, s26, s21, $0xb8;
	[tilespmem:$0x1FF80] =	vst v63  }
0x26: {  	p1 =	por @p0 $0x0, $0x0;
	s28 =	simm.s32 @!p0 $0x1;
	_ =	swait.ge @p0 [sflag:s22], $0x3000  }
0x27: {  	s29 =	simm.s32 @!p0 $0x5F80;
	p1 =	por p1, !p0;
	[sflag:s22] =	ssyncset.done @p0 $0x0  }
0x28: {  	s25 =	simm.s32 @!p1 $0x8F80;
	[sflag:s22] =	ssyncadd.s32 @p0 $0xFFFFD000;
	s22 =	simm.s32 @!p1 $0x60  }
0x29: {  	[tilespmem:s25], [sflag:$0x2] =	stream.indirect.gather @!p1 [hbm4b:s2+s22], $0x80, s23, s22, $0xb8;
	[tilespmem:$0x1FF80] =	vst v63  }
0x2a: {  	s21 =	simm.s32 $0x120;
	s22 =	simm.s32 $0x2800;
	_ =	swait.ge @!p0 [sflag:s28], $0x3000  }
0x2b: {  	s25 =	simm.s32 @!p0 $0x3;
	p1 =	por @!p0 $0x0, $0x0;
	[sflag:s28] =	ssyncset.done @!p0 $0x0  }
0x2c: {  	p2 =	por p1, p0;
	[sflag:s28] =	ssyncadd.s32 @!p0 $0xFFFFD000;
	s28 =	simm.s32 @!p0 $0x60  }
0x2d: {  	[spmem:s3] =	stream.indirect.scatter.add.f32 @!p0 [tilespmem:s29], [sflag:$0x3], $0x80, s26, s28, $0xb8;
	[tilespmem:$0x1FF80] =	vst v63  }
0x2e: {  	s28 =	sand.u32 $0x1, s20;
	s26 =	simm.s32 @!p2 $0x5F80;
	_ =	swait.ge @!p0 [sflag:s25], $0x3000  }
0x2f: {  	p3 =	seq.s32 s28, $0x1;
	s28 =	simm.s32 @!p2 $0x60;
	[sflag:s25] =	ssyncset.done @!p0 $0x0  }
.LBB2_2:
0x30: {  	s29 =	simm.s32 @p3 $0x2  }
0x31: {  	[sflag:s25] =	ssyncadd.s32 @!p0 $0xFFFFD000;
	s30 =	smov.u32 s20;
	s20 =	smov.u32 s24  }
0x32: {  	s24 =	sadd.s32 $0x1, s24;
	s31 =	smov.u32 s22;
	p0 =	por p3, p3  }
0x33: {  	[tilespmem:s26], [sflag:$0x1] =	stream.indirect.gather @!p2 [hbm4b:s2+s28], $0x80, s23, s28, $0xb8;
	[tilespmem:$0x1FF80] =	vst v63  }
0x34: {  	p1 =	sne.s32 s24, $0x69;
	s23 =	smov.u32 s21;
	_ =	swait.ge @p0 [sflag:s29], $0x3000  }
0x35: {  	s25 =	simm.s32 @p0 $0x3;
	s21 =	sadd.s32 $0x60, s21;
	[sflag:s29] =	ssyncset.done @p0 $0x0  }
0x36: {  	s26 =	simm.s32 @p0 $0x60;
	s28 =	simm.s32 @p0 $0x8F80;
	[sflag:s29] =	ssyncadd.s32 @p0 $0xFFFFD000  }
0x37: {  	[spmem:s3] =	stream.indirect.scatter.add.f32 @p0 [tilespmem:s28], [sflag:$0x3], $0x80, s22, s26, $0xb8;
	[tilespmem:$0x1FF80] =	vst v63  }
0x38: {  	p2 =	sgt.u32 @p0 s30, $0x66;
	s22 =	sadd.s32 $0x80, s22;
	_ =	swait.ge @p0 [sflag:s25], $0x3000  }
0x39: {  	p2 =	por p2, !p0;
	s26 =	simm.s32 @!p0 $0x1;
	[sflag:s25] =	ssyncset.done @p0 $0x0  }
0x3a: {  	s28 =	simm.s32 @!p2 $0x8F80;
	[sflag:s25] =	ssyncadd.s32 @p0 $0xFFFFD000;
	s25 =	simm.s32 @!p2 $0x60  }
0x3b: {  	[tilespmem:s28], [sflag:$0x2] =	stream.indirect.gather @!p2 [hbm4b:s2+s25], $0x80, s23, s25, $0xb8;
	[tilespmem:$0x1FF80] =	vst v63  }
0x3c: {  	s28 =	simm.s32 @!p0 $0x5F80;
	s25 =	simm.s32 @!p0 $0x3;
	_ =	swait.ge @!p0 [sflag:s26], $0x3000  }
.Ltmp0:
0x3d: {  	p2 =	sgt.u32 @!p0 s30, $0x66;
	[sflag:s26] =	ssyncset.done @!p0 $0x0;
	(pc) =	sbr.rel @p1 .LBB2_2-.Ltmp0, $4  }
0x3e: {  	p2 =	por p2, p0;
	[sflag:s26] =	ssyncadd.s32 @!p0 $0xFFFFD000;
	s26 =	simm.s32 @!p0 $0x60  }
0x3f: {  	[spmem:s3] =	stream.indirect.scatter.add.f32 @!p0 [tilespmem:s28], [sflag:$0x3], $0x80, s31, s26, $0xb8;
	[tilespmem:$0x1FF80] =	vst v63  }
0x40: {  	s28 =	sand.u32 $0x1, s20;
	s26 =	simm.s32 @!p2 $0x5F80;
	_ =	swait.ge @!p0 [sflag:s25], $0x3000  }
0x41: {  	p3 =	seq.s32 s28, $0x1;
	s28 =	simm.s32 @!p2 $0x60;
	[sflag:s25] =	ssyncset.done @!p0 $0x0  }
0x42: {  	s24 =	simm.s32 @p3 $0x2;
	[sflag:s25] =	ssyncadd.s32 @!p0 $0xFFFFD000;
	p0 =	por p3, p3  }
0x43: {  	[tilespmem:s26], [sflag:$0x1] =	stream.indirect.gather @!p2 [hbm4b:s2+s28], $0x80, s23, s28, $0xb8;
	[tilespmem:$0x1FF80] =	vst v63  }
0x44: {  	_ =	swait.ge @p0 [sflag:s24], $0x3000  }
0x45: {  	s23 =	simm.s32 @p0 $0x3;
	[sflag:s24] =	ssyncset.done @p0 $0x0  }
0x46: {  	s25 =	simm.s32 @p0 $0x8F80;
	[sflag:s24] =	ssyncadd.s32 @p0 $0xFFFFD000;
	s24 =	simm.s32 @p0 $0x60  }
0x47: {  	[spmem:s3] =	stream.indirect.scatter.add.f32 @p0 [tilespmem:s25], [sflag:$0x3], $0x80, s22, s24, $0xb8;
	[tilespmem:$0x1FF80] =	vst v63  }
0x48: {  	p1 =	sgt.u32 @p0 s20, $0x66;
	_ =	swait.ge @p0 [sflag:s23], $0x3000  }
0x49: {  	p1 =	por p1, !p0;
	s24 =	simm.s32 @!p0 $0x1;
	[sflag:s23] =	ssyncset.done @p0 $0x0  }
0x4a: {  	s25 =	simm.s32 @!p1 $0x8F80;
	[sflag:s23] =	ssyncadd.s32 @p0 $0xFFFFD000;
	s23 =	simm.s32 @!p1 $0x60  }
0x4b: {  	[tilespmem:s25], [sflag:$0x2] =	stream.indirect.gather @!p1 [hbm4b:s2+s23], $0x80, s21, s23, $0xb8;
	[tilespmem:$0x1FF80] =	vst v63  }
0x4c: {  	_ =	swait.ge @!p0 [sflag:s24], $0x3000  }
0x4d: {  	s23 =	simm.s32 @!p0 $0x5F80;
	s25 =	simm.s32 @!p0 $0x3;
	[sflag:s24] =	ssyncset.done @!p0 $0x0  }
0x4e: {  	p1 =	sgt.u32 @!p0 s20, $0x66;
	[sflag:s24] =	ssyncadd.s32 @!p0 $0xFFFFD000;
	s24 =	simm.s32 @!p0 $0x60  }
0x4f: {  	[spmem:s3] =	stream.indirect.scatter.add.f32 @!p0 [tilespmem:s23], [sflag:$0x3], $0x80, s22, s24, $0xb8;
	[tilespmem:$0x1FF80] =	vst v63  }
0x50: {  	p1 =	por p1, p0;
	_ =	swait.ge @!p0 [sflag:s25], $0x3000  }
0x51: {  	s19 =	sadd.s32 $0x1, s19;
	s20 =	simm.s32 @!p1 $0x5F80;
	[sflag:s25] =	ssyncset.done @!p0 $0x0  }
0x52: {  	s22 =	simm.s32 @!p1 $0x60;
	[sflag:s25] =	ssyncadd.s32 @!p0 $0xFFFFD000;
	p0 =	sne.s32 s19, s11  }
0x53: {  	[tilespmem:s20], [sflag:$0x1] =	stream.indirect.gather @!p1 [hbm4b:s2+s22], $0x80, s21, s22, $0xb8;
	[tilespmem:$0x1FF80] =	vst v63  }
.Ltmp1:
0x54: {  	s31 =	sor.u32 $0x1C03, s5;
	[bflag:$0x0] =	sbarrier.arrive $0xFFFF;
	(pc) =	sbr.rel @p0 .LBB2_1-.Ltmp1, $4  }
0x55: {  	[hbm:s10], [sflag:s31] =	dma.local [spmem:s12], $0x2800  }
0x56: {  	_ =	swait.ge [sflag:s13], $0x2800  }
0x57: {  	[sflag:s13] =	ssyncset.done $0x0  }
0x58: {  	[sflag:s13] =	ssyncadd.s32 $0xFFFFD800  }
0x59: {  	_ =	sfence.sel $0x180000  }
0x5a: {  	[bflag:$0x0] =	sbarrier.arrive $0xFFFF  }
0x5b: {  	p0 =	sne.s32 s0, $0x0;
	_ =	strace $0x9000004A  }
0x5c: {  	s0 =	sadd.s32 @!p0 $0x100000, s1;
	[bflag:$0x2] =	sbarrier.arrive $0xFFFF  }
0x5d: {  	[sflag:s0] =	ssyncadd.tile.s32 @!p0 $0x1;
	_ =	shalt  }
.Lfunc_end2:
_tile_overlayer_lowered:
.L_overlay_start_2:
0x5e: {  	(tag) =	ssettag $0x2  }
0x5f: {  	s0 =	rddreg [dreg:$0x0];
	s2 =	stileid.u32  }
0x60: {  	s1 =	rddreg [dreg:$0x1];
	p0 =	sne.s32 s2, $0x0  }
0x61: {  	s3 =	rddreg [dreg:$0x2];
	[bflag:$0x3] =	sbarrier.arrive $0xFFFF;
	s2 =	simm.s32 @!p0 $0x1C03  }
0x62: {  	[timem:s3], [sflag:s2] =	dma.local @!p0 [hbm:s0], s1  }
0x63: {  	s0 =	simm.s32 @!p0 $0x3  }
0x64: {  	_ =	swait.ge @!p0 [sflag:s0], s1  }
0x65: {  	s1 =	ssub.s32 @!p0 $0x0, s1;
	[sflag:s0] =	ssyncset.done @!p0 $0x0  }
0x66: {  	[sflag:s0] =	ssyncadd.s32 @!p0 s1  }
0x67: {  	[bflag:$0x3] =	sbarrier.arrive $0xFFFF  }
0x68: {  	_ =	shalt  }

</sc_bundles>
